<compile_context>
chip_gen: v7x
topology: tpu7x:2x2x1
jax: 0.10.2.dev20260603
libtpu: 0.0.44.dev20260713+nightly
codegen_flags: <defaults>
</compile_context>

<pallas_src>
import math
import functools

import jax
import jax.numpy as jnp
import numpy as np
from jax import lax
from jax.experimental import pallas as pl
from jax.experimental.pallas import tpu as pltpu
from jax.experimental.pallas import tpu_sc as plsc

BSZ = 4
SEQ = 8192
NUM_TOKENS = BSZ * SEQ
NW = 32
CHUNK = NUM_TOKENS // NW
CPR = SEQ // CHUNK
LANES = 16

EMBEDDING_DIM = 1024
HALF_DIM = EMBEDDING_DIM // 2
SEQ_BLOCK = 512

_EMB_SCALE = math.log(10000.0) / (HALF_DIM - 1)
_FREQS = np.exp(np.arange(HALF_DIM, dtype=np.float32) * -_EMB_SCALE).astype(np.float32)



def _sc_pos_body(mask_hbm, pos_hbm, row_v, pos_v, sem):
    wid = lax.axis_index("s") * 2 + lax.axis_index("c")
    b = wid // CPR
    c = wid % CPR
    row_base = b * SEQ
    cbase = c * CHUNK

    pltpu.sync_copy(mask_hbm.at[pl.ds(row_base, SEQ)], row_v)

    def _ofs(i, acc):
        return acc + jnp.sum(row_v[pl.ds(i * LANES, LANES)])

    carry = lax.fori_loop(0, c * (CHUNK // LANES), _ofs, jnp.int32(0))

    for i in range(CHUNK // LANES):
        v = row_v[pl.ds(cbase + i * LANES, LANES)]
        cum = plsc.cumsum(v) + carry
        carry = carry + jnp.sum(v)
        pos_v[pl.ds(i * LANES, LANES)] = (cum * v).astype(jnp.float32)

    pltpu.async_copy(pos_v, pos_hbm.at[pl.ds(row_base + cbase, CHUNK)], sem).wait()


_sc_positions = functools.partial(
    pl.kernel,
    out_type=jax.ShapeDtypeStruct((NUM_TOKENS,), jnp.float32),
    mesh=plsc.VectorSubcoreMesh(core_axis_name="c", subcore_axis_name="s"),
    compiler_params=pltpu.CompilerParams(needs_layout_passes=False),
    scratch_types=[
        pltpu.VMEM((SEQ,), jnp.int32),
        pltpu.VMEM((CHUNK,), jnp.float32),
        pltpu.SemaphoreType.DMA,
    ],
)(_sc_pos_body)



def _split12(x):
    f = np.float32(x)
    bits = f.view(np.uint32) & np.uint32(0xFFFFF000)
    return bits.view(np.float32)


_PI_HI = _split12(np.pi)
_PI_MID = _split12(np.float64(np.pi) - np.float64(_PI_HI))
_INV_PI = np.float32(1.0 / np.pi)

_R = np.linspace(1e-7, np.pi / 2 + 0.01, 4001)
_U = _R * _R
_SIN_C = np.linalg.lstsq(
    np.stack([_U**j for j in range(3)], axis=1), np.sin(_R) / _R, rcond=None
)[0].astype(np.float32)
_COS_C = np.linalg.lstsq(
    np.stack([_U**j for j in range(4)], axis=1), np.cos(_R), rcond=None
)[0].astype(np.float32)


_MAGIC = np.float32(12582912.0)


def _tc_body(pos_ref, freq_ref, out_ref):
    p_col = pos_ref[0]
    m_col = (p_col > 0.0).astype(jnp.float32)
    a = p_col * freq_ref[...]
    km = a * _INV_PI + _MAGIC
    k = km - _MAGIC
    par = jax.lax.bitcast_convert_type(km, jnp.int32) & 1
    r = (a - k * _PI_HI) - k * _PI_MID
    u = r * r
    sinr = r * (_SIN_C[0] + u * (_SIN_C[1] + u * _SIN_C[2]))
    cosr = _COS_C[0] + u * (_COS_C[1] + u * (_COS_C[2] + u * _COS_C[3]))
    sgn = (jnp.float32(1.0) - jnp.float32(2.0) * par.astype(jnp.float32)) * m_col
    out_ref[0, :, :HALF_DIM] = sinr * sgn
    out_ref[0, :, HALF_DIM:] = cosr * sgn


def _tc_stage(pos_f32):
    freqs = jnp.asarray(_FREQS).reshape(1, HALF_DIM)
    n_blocks = SEQ // SEQ_BLOCK
    return pl.pallas_call(
        _tc_body,
        grid=(BSZ, n_blocks),
        in_specs=[
            pl.BlockSpec((1, SEQ_BLOCK, 1), lambda b, s: (b, s, 0)),
            pl.BlockSpec((1, HALF_DIM), lambda b, s: (0, 0)),
        ],
        out_specs=pl.BlockSpec((1, SEQ_BLOCK, EMBEDDING_DIM), lambda b, s: (b, s, 0)),
        out_shape=jax.ShapeDtypeStruct((BSZ, SEQ, EMBEDDING_DIM), jnp.float32),
        compiler_params=pltpu.CompilerParams(
            dimension_semantics=("arbitrary", "arbitrary"),
        ),
    )(pos_f32, freqs)


@jax.jit
def kernel(pad_mask):
    bsz, seq_len = pad_mask.shape
    mask = jnp.logical_not(pad_mask).astype(jnp.int32).reshape(-1)
    pos = _sc_positions(mask)
    return _tc_stage(pos.reshape(bsz, seq_len, 1))

# --- scband reference (transcript-rebuilt; emitter-appended) ---
"""Pipeline reference for scband-sinusoidal-positional-embedding-31284541784336 (READ-ONLY COPY).

The authoritative reference and input builder live on the scoring server;
editing this copy changes nothing except your own understanding.
"""

import math
import jax, jax.numpy as jnp
import numpy as np

EMBEDDING_DIM = 1024
PADDING_IDX = 0

def get_embedding(num_embeddings, embedding_dim, padding_idx=0):
    half_dim = embedding_dim // 2
    emb_scale = math.log(10000) / (half_dim - 1)
    emb = jnp.exp(jnp.arange(half_dim, dtype=jnp.float32) * -emb_scale)
    emb = jnp.arange(num_embeddings, dtype=jnp.float32)[:, None] * emb[None, :]
    emb = jnp.concatenate([jnp.sin(emb), jnp.cos(emb)], axis=1).reshape(num_embeddings, -1)
    if embedding_dim % 2 == 1:
        emb = jnp.concatenate([emb, jnp.zeros((num_embeddings, 1), dtype=jnp.float32)], axis=1)
    if padding_idx is not None:
        emb = emb.at[padding_idx, :].set(0.0)
    return emb

def make_positions(pad_mask, padding_idx):
    mask = jnp.where(~pad_mask, 1, 0)
    return (jnp.cumsum(mask, axis=1) * mask).astype(jnp.int32) + padding_idx

def setup_inputs(seed: int = 0):
    key = jax.random.key(seed)
    pad_mask = jax.random.randint(key, (4, 8192), 0, 2).astype(jnp.bool_)
    return {"pad_mask": pad_mask}

def reference(pad_mask):
    bsz, seq_len = pad_mask.shape
    max_pos = PADDING_IDX + 1 + seq_len
    # init_size=1024 < max_pos, so the module rebuilds the table to max_pos rows
    weights = get_embedding(max_pos, EMBEDDING_DIM, PADDING_IDX)
    positions = make_positions(pad_mask, PADDING_IDX)
    out = jnp.take(weights, positions.reshape(-1), axis=0).reshape(bsz, seq_len, -1)
    return out

if __name__ == "__main__":
    import jax
    _d = setup_inputs()
    print(jax.jit(kernel)(*tuple(_d.values())))

</pallas_src>

<mosaic_0001>
#map = affine_map<(d0, d1) -> (0)>
module attributes {stable_mosaic.version = 14 : i64} {
  func.func @_sc_pos_body(%arg0: i32, %arg1: i32, %arg2: memref<32768xi32, #tpu.memory_space<hbm>>, %arg3: memref<32768xf32, #tpu.memory_space<hbm>>, %arg4: memref<8192xi32, #tpu.memory_space<vmem>>, %arg5: memref<1024xf32, #tpu.memory_space<vmem>>, %arg6: memref<!tpu.dma_semaphore, #tpu.memory_space<semaphore_mem>>) attributes {dimension_semantics = [#tpu.dimension_semantics<core_parallel>, #tpu.dimension_semantics<subcore_parallel>], iteration_bounds = array<i64: 2, 16>, scalar_prefetch = 0 : i64, scratch_operands = 3 : i64, tpu.core_type = #tpu.core_type<sc_vector_subcore>, window_params = [{transform_indices = #map}, {transform_indices = #map}]} {
    %mul3A = arith.constant 2 : i32
    %mul3A_0 = arith.muli %arg1, %mul3A : i32
    %add3A = arith.addi %mul3A_0, %arg0 : i32
    %jit3A = arith.constant 8 : i32
    %div3A = arith.divsi %add3A, %jit3A : i32
    %sign3A = arith.constant 0 : i32
    %sign3A_1 = arith.cmpi sgt, %add3A, %sign3A : i32
    %sign3A_2 = arith.extui %sign3A_1 : i1 to i32
    %sign3A_3 = arith.constant 0 : i32
    %sign3A_4 = arith.cmpi slt, %add3A, %sign3A_3 : i32
    %sign3A_5 = arith.extui %sign3A_4 : i1 to i32
    %sign3A_6 = arith.subi %sign3A_2, %sign3A_5 : i32
    %sign3A_7 = arith.constant 0 : i32
    %sign3A_8 = arith.cmpi sgt, %jit3A, %sign3A_7 : i32
    %sign3A_9 = arith.extui %sign3A_8 : i1 to i32
    %sign3A_10 = arith.constant 0 : i32
    %sign3A_11 = arith.cmpi slt, %jit3A, %sign3A_10 : i32
    %sign3A_12 = arith.extui %sign3A_11 : i1 to i32
    %sign3A_13 = arith.subi %sign3A_9, %sign3A_12 : i32
    %ne3A = arith.cmpi ne, %sign3A_6, %sign3A_13 : i32
    %rem3A = arith.remsi %add3A, %jit3A : i32
    %ne3A_14 = arith.constant 0 : i32
    %ne3A_15 = arith.cmpi ne, %rem3A, %ne3A_14 : i32
    %and3A = arith.andi %ne3A, %ne3A_15 : i1
    %sub3A = arith.constant 1 : i32
    %sub3A_16 = arith.subi %div3A, %sub3A : i32
    %select_n3A = arith.select %and3A, %sub3A_16, %div3A : i32
    %jit3A_17 = arith.constant 8 : i32
    %eq3A = arith.constant 0 : i32
    %eq3A_18 = arith.cmpi eq, %jit3A_17, %eq3A : i32
    %jit3A_19 = arith.constant 1 : i32
    %select_n3A_20 = arith.select %eq3A_18, %jit3A_19, %jit3A_17 : i32
    %rem3A_21 = arith.remsi %add3A, %select_n3A_20 : i32
    %ne3A_22 = arith.constant 0 : i32
    %ne3A_23 = arith.cmpi ne, %rem3A_21, %ne3A_22 : i32
    %lt3A = arith.constant 0 : i32
    %lt3A_24 = arith.cmpi slt, %rem3A_21, %lt3A : i32
    %lt3A_25 = arith.constant 0 : i32
    %lt3A_26 = arith.cmpi slt, %select_n3A_20, %lt3A_25 : i32
    %ne3A_27 = arith.xori %lt3A_24, %lt3A_26 : i1
    %and3A_28 = arith.andi %ne3A_27, %ne3A_23 : i1
    %add3A_29 = arith.addi %rem3A_21, %select_n3A_20 : i32
    %select_n3A_30 = arith.select %and3A_28, %add3A_29, %rem3A_21 : i32
    %mul3A_31 = arith.constant 8192 : i32
    %mul3A_32 = arith.muli %select_n3A, %mul3A_31 : i32
    %mul3A_33 = arith.constant 1024 : i32
    %mul3A_34 = arith.muli %select_n3A_30, %mul3A_33 : i32
    "tpu.region"() ({
      %run_scoped3A = tpu.sem_alloc : memref<!tpu.dma_semaphore, #tpu.memory_space<semaphore_mem>>
      %dma_start3A_1197 = tpu.memref_slice %arg2[%mul3A_32] : memref<32768xi32, #tpu.memory_space<hbm>> -> memref<8192xi32, #tpu.memory_space<hbm>>
      %dma_start3A_1198 = tpu.memref_slice %arg2[%mul3A_32] : memref<32768xi32, #tpu.memory_space<hbm>> -> memref<8192xi32, #tpu.memory_space<hbm>>
      tpu.enqueue_dma source(%dma_start3A_1198 : memref<8192xi32, #tpu.memory_space<hbm>>) target(%arg4 : memref<8192xi32, #tpu.memory_space<vmem>>) target_semaphore(%run_scoped3A : memref<!tpu.dma_semaphore, #tpu.memory_space<semaphore_mem>>)
      %dma_wait3A_1199 = tpu.memref_slice %arg2[%mul3A_32] : memref<32768xi32, #tpu.memory_space<hbm>> -> memref<8192xi32, #tpu.memory_space<hbm>>
      %dma_wait3A_1200 = tpu.memref_slice %arg2[%mul3A_32] : memref<32768xi32, #tpu.memory_space<hbm>> -> memref<8192xi32, #tpu.memory_space<hbm>>
      tpu.wait_dma2 semaphore(%run_scoped3A : memref<!tpu.dma_semaphore, #tpu.memory_space<semaphore_mem>>) src(%dma_wait3A_1200 : memref<8192xi32, #tpu.memory_space<hbm>>) dst(%arg4 : memref<8192xi32, #tpu.memory_space<vmem>>)
      tpu.yield
    }) : () -> ()
    %mul3A_35 = arith.constant 64 : i32
    %mul3A_36 = arith.muli %select_n3A_30, %mul3A_35 : i32
    %while3A = arith.constant 0 : i32
    %while3A_37 = arith.constant 0 : i32
    %while3A_38 = arith.subi %mul3A_36, %while3A : i32
    %while3A_39 = arith.addi %while3A, %while3A_38 : i32
    %while3A_40 = arith.constant 1 : i32
    %while3A_41 = arith.divsi %while3A_38, %while3A_40 : i32
    %while3A_42 = arith.muli %while3A_41, %while3A_40 : i32
    %while3A_43 = arith.addi %while3A, %while3A_42 : i32
    %while3A_44 = arith.constant 1 : i32
    %while3A_45 = scf.for %while3A_1197 = %while3A to %while3A_43 step %while3A_44 iter_args(%while3A_1198 = %while3A_37) -> (i32)  : i32 {
      %mul3A_1199 = arith.constant 16 : i32
      %mul3A_1200 = arith.muli %while3A_1197, %mul3A_1199 : i32
      %get3A_1201 = arith.index_cast %mul3A_1200 : i32 to index
      %get3A_1202 = tpu.vector_load %arg4[%get3A_1201] {strides = array<i32>} : memref<8192xi32, #tpu.memory_space<vmem>>, vector<16xi32>,
      %reduce_sum3A_1203 = arith.constant true
      %reduce_sum3A_1204 = vector.broadcast %reduce_sum3A_1203 : i1 to vector<16xi1>
      %reduce_sum3A_1205 = tpu.scan <sum>, %get3A_1202 masked %reduce_sum3A_1204 : vector<16xi32>, vector<16xi1> -> vector<16xi32>
      %reduce_sum3A_1206 = vector.extract %reduce_sum3A_1205[15] : i32 from vector<16xi32>
      %add3A_1207 = arith.addi %while3A_1198, %reduce_sum3A_1206 : i32
      scf.yield %add3A_1207 : i32
    }
    %while3A_46 = arith.constant 1 : i32
    %while3A_47 = scf.for %while3A_1197 = %while3A_43 to %while3A_39 step %while3A_46 iter_args(%while3A_1198 = %while3A_45) -> (i32)  : i32 {
      %mul3A_1199 = arith.constant 16 : i32
      %mul3A_1200 = arith.muli %while3A_1197, %mul3A_1199 : i32
      %get3A_1201 = arith.index_cast %mul3A_1200 : i32 to index
      %get3A_1202 = tpu.vector_load %arg4[%get3A_1201] {strides = array<i32>} : memref<8192xi32, #tpu.memory_space<vmem>>, vector<16xi32>,
      %reduce_sum3A_1203 = arith.constant true
      %reduce_sum3A_1204 = vector.broadcast %reduce_sum3A_1203 : i1 to vector<16xi1>
      %reduce_sum3A_1205 = tpu.scan <sum>, %get3A_1202 masked %reduce_sum3A_1204 : vector<16xi32>, vector<16xi1> -> vector<16xi32>
      %reduce_sum3A_1206 = vector.extract %reduce_sum3A_1205[15] : i32 from vector<16xi32>
      %add3A_1207 = arith.addi %while3A_1198, %reduce_sum3A_1206 : i32
      scf.yield %add3A_1207 : i32
    }
    %add3A_48 = arith.constant 0 : i32
    %add3A_49 = arith.addi %mul3A_34, %add3A_48 : i32
    %get3A = arith.index_cast %add3A_49 : i32 to index
    %get3A_50 = tpu.vector_load %arg4[%get3A] {strides = array<i32>} : memref<8192xi32, #tpu.memory_space<vmem>>, vector<16xi32>,
    %broadcast_in_dim3A = arith.constant true
    %broadcast_in_dim3A_51 = vector.broadcast %broadcast_in_dim3A : i1 to vector<16xi1>
    %masked_cumsum3A = tpu.scan <sum>, %get3A_50 masked %broadcast_in_dim3A_51 : vector<16xi32>, vector<16xi1> -> vector<16xi32>
    %add3A_52 = vector.broadcast %while3A_47 : i32 to vector<16xi32>
    %add3A_53 = arith.addi %masked_cumsum3A, %add3A_52 : vector<16xi32>
    %reduce_sum3A = arith.constant true
    %reduce_sum3A_54 = vector.broadcast %reduce_sum3A : i1 to vector<16xi1>
    %reduce_sum3A_55 = tpu.scan <sum>, %get3A_50 masked %reduce_sum3A_54 : vector<16xi32>, vector<16xi1> -> vector<16xi32>
    %reduce_sum3A_56 = vector.extract %reduce_sum3A_55[15] : i32 from vector<16xi32>
    %add3A_57 = arith.addi %while3A_47, %reduce_sum3A_56 : i32
    %mul3A_58 = arith.muli %add3A_53, %get3A_50 : vector<16xi32>
    %convert_element_type3A = arith.sitofp %mul3A_58 : vector<16xi32> to vector<16xf32>
    %swap3A = arith.constant 0 : index
    %swap3A_59 = tpu.vector_load %arg5[%swap3A] {strides = array<i32>} : memref<1024xf32, #tpu.memory_space<vmem>>, vector<16xf32>,
    tpu.vector_store %arg5[%swap3A], %convert_element_type3A {strides = array<i32>} : memref<1024xf32, #tpu.memory_space<vmem>>, vector<16xf32>,
    %add3A_60 = arith.constant 16 : i32
    %add3A_61 = arith.addi %mul3A_34, %add3A_60 : i32
    %get3A_62 = arith.index_cast %add3A_61 : i32 to index
    %get3A_63 = tpu.vector_load %arg4[%get3A_62] {strides = array<i32>} : memref<8192xi32, #tpu.memory_space<vmem>>, vector<16xi32>,
    %broadcast_in_dim3A_64 = arith.constant true
    %broadcast_in_dim3A_65 = vector.broadcast %broadcast_in_dim3A_64 : i1 to vector<16xi1>
    %masked_cumsum3A_66 = tpu.scan <sum>, %get3A_63 masked %broadcast_in_dim3A_65 : vector<16xi32>, vector<16xi1> -> vector<16xi32>
    %add3A_67 = vector.broadcast %add3A_57 : i32 to vector<16xi32>
    %add3A_68 = arith.addi %masked_cumsum3A_66, %add3A_67 : vector<16xi32>
    %reduce_sum3A_69 = arith.constant true
    %reduce_sum3A_70 = vector.broadcast %reduce_sum3A_69 : i1 to vector<16xi1>
    %reduce_sum3A_71 = tpu.scan <sum>, %get3A_63 masked %reduce_sum3A_70 : vector<16xi32>, vector<16xi1> -> vector<16xi32>
    %reduce_sum3A_72 = vector.extract %reduce_sum3A_71[15] : i32 from vector<16xi32>
    %add3A_73 = arith.addi %add3A_57, %reduce_sum3A_72 : i32
    %mul3A_74 = arith.muli %add3A_68, %get3A_63 : vector<16xi32>
    %convert_element_type3A_75 = arith.sitofp %mul3A_74 : vector<16xi32> to vector<16xf32>
    %swap3A_76 = arith.constant 16 : index
    %swap3A_77 = tpu.vector_load %arg5[%swap3A_76] {strides = array<i32>} : memref<1024xf32, #tpu.memory_space<vmem>>, vector<16xf32>,
    tpu.vector_store %arg5[%swap3A_76], %convert_element_type3A_75 {strides = array<i32>} : memref<1024xf32, #tpu.memory_space<vmem>>, vector<16xf32>,
    %add3A_78 = arith.constant 32 : i32
    %add3A_79 = arith.addi %mul3A_34, %add3A_78 : i32
    %get3A_80 = arith.index_cast %add3A_79 : i32 to index
    %get3A_81 = tpu.vector_load %arg4[%get3A_80] {strides = array<i32>} : memref<8192xi32, #tpu.memory_space<vmem>>, vector<16xi32>,
    %broadcast_in_dim3A_82 = arith.constant true
    %broadcast_in_dim3A_83 = vector.broadcast %broadcast_in_dim3A_82 : i1 to vector<16xi1>
    %masked_cumsum3A_84 = tpu.scan <sum>, %get3A_81 masked %broadcast_in_dim3A_83 : vector<16xi32>, vector<16xi1> -> vector<16xi32>
    %add3A_85 = vector.broadcast %add3A_73 : i32 to vector<16xi32>
    %add3A_86 = arith.addi %masked_cumsum3A_84, %add3A_85 : vector<16xi32>
    %reduce_sum3A_87 = arith.constant true
    %reduce_sum3A_88 = vector.broadcast %reduce_sum3A_87 : i1 to vector<16xi1>
    %reduce_sum3A_89 = tpu.scan <sum>, %get3A_81 masked %reduce_sum3A_88 : vector<16xi32>, vector<16xi1> -> vector<16xi32>
    %reduce_sum3A_90 = vector.extract %reduce_sum3A_89[15] : i32 from vector<16xi32>
    %add3A_91 = arith.addi %add3A_73, %reduce_sum3A_90 : i32
    %mul3A_92 = arith.muli %add3A_86, %get3A_81 : vector<16xi32>
    %convert_element_type3A_93 = arith.sitofp %mul3A_92 : vector<16xi32> to vector<16xf32>
    %swap3A_94 = arith.constant 32 : index
    %swap3A_95 = tpu.vector_load %arg5[%swap3A_94] {strides = array<i32>} : memref<1024xf32, #tpu.memory_space<vmem>>, vector<16xf32>,
    tpu.vector_store %arg5[%swap3A_94], %convert_element_type3A_93 {strides = array<i32>} : memref<1024xf32, #tpu.memory_space<vmem>>, vector<16xf32>,
    %add3A_96 = arith.constant 48 : i32
    %add3A_97 = arith.addi %mul3A_34, %add3A_96 : i32
    %get3A_98 = arith.index_cast %add3A_97 : i32 to index
    %get3A_99 = tpu.vector_load %arg4[%get3A_98] {strides = array<i32>} : memref<8192xi32, #tpu.memory_space<vmem>>, vector<16xi32>,
    %broadcast_in_dim3A_100 = arith.constant true
    %broadcast_in_dim3A_101 = vector.broadcast %broadcast_in_dim3A_100 : i1 to vector<16xi1>
    %masked_cumsum3A_102 = tpu.scan <sum>, %get3A_99 masked %broadcast_in_dim3A_101 : vector<16xi32>, vector<16xi1> -> vector<16xi32>
    %add3A_103 = vector.broadcast %add3A_91 : i32 to vector<16xi32>
    %add3A_104 = arith.addi %masked_cumsum3A_102, %add3A_103 : vector<16xi32>
    %reduce_sum3A_105 = arith.constant true
    %reduce_sum3A_106 = vector.broadcast %reduce_sum3A_105 : i1 to vector<16xi1>
    %reduce_sum3A_107 = tpu.scan <sum>, %get3A_99 masked %reduce_sum3A_106 : vector<16xi32>, vector<16xi1> -> vector<16xi32>
    %reduce_sum3A_108 = vector.extract %reduce_sum3A_107[15] : i32 from vector<16xi32>
    %add3A_109 = arith.addi %add3A_91, %reduce_sum3A_108 : i32
    %mul3A_110 = arith.muli %add3A_104, %get3A_99 : vector<16xi32>
    %convert_element_type3A_111 = arith.sitofp %mul3A_110 : vector<16xi32> to vector<16xf32>
    %swap3A_112 = arith.constant 48 : index
    %swap3A_113 = tpu.vector_load %arg5[%swap3A_112] {strides = array<i32>} : memref<1024xf32, #tpu.memory_space<vmem>>, vector<16xf32>,
    tpu.vector_store %arg5[%swap3A_112], %convert_element_type3A_111 {strides = array<i32>} : memref<1024xf32, #tpu.memory_space<vmem>>, vector<16xf32>,
    %add3A_114 = arith.constant 64 : i32
    %add3A_115 = arith.addi %mul3A_34, %add3A_114 : i32
    %get3A_116 = arith.index_cast %add3A_115 : i32 to index
    %get3A_117 = tpu.vector_load %arg4[%get3A_116] {strides = array<i32>} : memref<8192xi32, #tpu.memory_space<vmem>>, vector<16xi32>,
    %broadcast_in_dim3A_118 = arith.constant true
    %broadcast_in_dim3A_119 = vector.broadcast %broadcast_in_dim3A_118 : i1 to vector<16xi1>
    %masked_cumsum3A_120 = tpu.scan <sum>, %get3A_117 masked %broadcast_in_dim3A_119 : vector<16xi32>, vector<16xi1> -> vector<16xi32>
    %add3A_121 = vector.broadcast %add3A_109 : i32 to vector<16xi32>
    %add3A_122 = arith.addi %masked_cumsum3A_120, %add3A_121 : vector<16xi32>
    %reduce_sum3A_123 = arith.constant true
    %reduce_sum3A_124 = vector.broadcast %reduce_sum3A_123 : i1 to vector<16xi1>
    %reduce_sum3A_125 = tpu.scan <sum>, %get3A_117 masked %reduce_sum3A_124 : vector<16xi32>, vector<16xi1> -> vector<16xi32>
    %reduce_sum3A_126 = vector.extract %reduce_sum3A_125[15] : i32 from vector<16xi32>
    %add3A_127 = arith.addi %add3A_109, %reduce_sum3A_126 : i32
    %mul3A_128 = arith.muli %add3A_122, %get3A_117 : vector<16xi32>
    %convert_element_type3A_129 = arith.sitofp %mul3A_128 : vector<16xi32> to vector<16xf32>
    %swap3A_130 = arith.constant 64 : index
    %swap3A_131 = tpu.vector_load %arg5[%swap3A_130] {strides = array<i32>} : memref<1024xf32, #tpu.memory_space<vmem>>, vector<16xf32>,
    tpu.vector_store %arg5[%swap3A_130], %convert_element_type3A_129 {strides = array<i32>} : memref<1024xf32, #tpu.memory_space<vmem>>, vector<16xf32>,
    %add3A_132 = arith.constant 80 : i32
    %add3A_133 = arith.addi %mul3A_34, %add3A_132 : i32
    %get3A_134 = arith.index_cast %add3A_133 : i32 to index
    %get3A_135 = tpu.vector_load %arg4[%get3A_134] {strides = array<i32>} : memref<8192xi32, #tpu.memory_space<vmem>>, vector<16xi32>,
    %broadcast_in_dim3A_136 = arith.constant true
    %broadcast_in_dim3A_137 = vector.broadcast %broadcast_in_dim3A_136 : i1 to vector<16xi1>
    %masked_cumsum3A_138 = tpu.scan <sum>, %get3A_135 masked %broadcast_in_dim3A_137 : vector<16xi32>, vector<16xi1> -> vector<16xi32>
    %add3A_139 = vector.broadcast %add3A_127 : i32 to vector<16xi32>
    %add3A_140 = arith.addi %masked_cumsum3A_138, %add3A_139 : vector<16xi32>
    %reduce_sum3A_141 = arith.constant true
    %reduce_sum3A_142 = vector.broadcast %reduce_sum3A_141 : i1 to vector<16xi1>
    %reduce_sum3A_143 = tpu.scan <sum>, %get3A_135 masked %reduce_sum3A_142 : vector<16xi32>, vector<16xi1> -> vector<16xi32>
    %reduce_sum3A_144 = vector.extract %reduce_sum3A_143[15] : i32 from vector<16xi32>
    %add3A_145 = arith.addi %add3A_127, %reduce_sum3A_144 : i32
    %mul3A_146 = arith.muli %add3A_140, %get3A_135 : vector<16xi32>
    %convert_element_type3A_147 = arith.sitofp %mul3A_146 : vector<16xi32> to vector<16xf32>
    %swap3A_148 = arith.constant 80 : index
    %swap3A_149 = tpu.vector_load %arg5[%swap3A_148] {strides = array<i32>} : memref<1024xf32, #tpu.memory_space<vmem>>, vector<16xf32>,
    tpu.vector_store %arg5[%swap3A_148], %convert_element_type3A_147 {strides = array<i32>} : memref<1024xf32, #tpu.memory_space<vmem>>, vector<16xf32>,
    %add3A_150 = arith.constant 96 : i32
    %add3A_151 = arith.addi %mul3A_34, %add3A_150 : i32
    %get3A_152 = arith.index_cast %add3A_151 : i32 to index
    %get3A_153 = tpu.vector_load %arg4[%get3A_152] {strides = array<i32>} : memref<8192xi32, #tpu.memory_space<vmem>>, vector<16xi32>,
    %broadcast_in_dim3A_154 = arith.constant true
    %broadcast_in_dim3A_155 = vector.broadcast %broadcast_in_dim3A_154 : i1 to vector<16xi1>
    %masked_cumsum3A_156 = tpu.scan <sum>, %get3A_153 masked %broadcast_in_dim3A_155 : vector<16xi32>, vector<16xi1> -> vector<16xi32>
    %add3A_157 = vector.broadcast %add3A_145 : i32 to vector<16xi32>
    %add3A_158 = arith.addi %masked_cumsum3A_156, %add3A_157 : vector<16xi32>
    %reduce_sum3A_159 = arith.constant true
    %reduce_sum3A_160 = vector.broadcast %reduce_sum3A_159 : i1 to vector<16xi1>
    %reduce_sum3A_161 = tpu.scan <sum>, %get3A_153 masked %reduce_sum3A_160 : vector<16xi32>, vector<16xi1> -> vector<16xi32>
    %reduce_sum3A_162 = vector.extract %reduce_sum3A_161[15] : i32 from vector<16xi32>
    %add3A_163 = arith.addi %add3A_145, %reduce_sum3A_162 : i32
    %mul3A_164 = arith.muli %add3A_158, %get3A_153 : vector<16xi32>
    %convert_element_type3A_165 = arith.sitofp %mul3A_164 : vector<16xi32> to vector<16xf32>
    %swap3A_166 = arith.constant 96 : index
    %swap3A_167 = tpu.vector_load %arg5[%swap3A_166] {strides = array<i32>} : memref<1024xf32, #tpu.memory_space<vmem>>, vector<16xf32>,
    tpu.vector_store %arg5[%swap3A_166], %convert_element_type3A_165 {strides = array<i32>} : memref<1024xf32, #tpu.memory_space<vmem>>, vector<16xf32>,
    %add3A_168 = arith.constant 112 : i32
    %add3A_169 = arith.addi %mul3A_34, %add3A_168 : i32
    %get3A_170 = arith.index_cast %add3A_169 : i32 to index
    %get3A_171 = tpu.vector_load %arg4[%get3A_170] {strides = array<i32>} : memref<8192xi32, #tpu.memory_space<vmem>>, vector<16xi32>,
    %broadcast_in_dim3A_172 = arith.constant true
    %broadcast_in_dim3A_173 = vector.broadcast %broadcast_in_dim3A_172 : i1 to vector<16xi1>
    %masked_cumsum3A_174 = tpu.scan <sum>, %get3A_171 masked %broadcast_in_dim3A_173 : vector<16xi32>, vector<16xi1> -> vector<16xi32>
    %add3A_175 = vector.broadcast %add3A_163 : i32 to vector<16xi32>
    %add3A_176 = arith.addi %masked_cumsum3A_174, %add3A_175 : vector<16xi32>
    %reduce_sum3A_177 = arith.constant true
    %reduce_sum3A_178 = vector.broadcast %reduce_sum3A_177 : i1 to vector<16xi1>
    %reduce_sum3A_179 = tpu.scan <sum>, %get3A_171 masked %reduce_sum3A_178 : vector<16xi32>, vector<16xi1> -> vector<16xi32>
    %reduce_sum3A_180 = vector.extract %reduce_sum3A_179[15] : i32 from vector<16xi32>
    %add3A_181 = arith.addi %add3A_163, %reduce_sum3A_180 : i32
    %mul3A_182 = arith.muli %add3A_176, %get3A_171 : vector<16xi32>
    %convert_element_type3A_183 = arith.sitofp %mul3A_182 : vector<16xi32> to vector<16xf32>
    %swap3A_184 = arith.constant 112 : index
    %swap3A_185 = tpu.vector_load %arg5[%swap3A_184] {strides = array<i32>} : memref<1024xf32, #tpu.memory_space<vmem>>, vector<16xf32>,
    tpu.vector_store %arg5[%swap3A_184], %convert_element_type3A_183 {strides = array<i32>} : memref<1024xf32, #tpu.memory_space<vmem>>, vector<16xf32>,
    %add3A_186 = arith.constant 128 : i32
    %add3A_187 = arith.addi %mul3A_34, %add3A_186 : i32
    %get3A_188 = arith.index_cast %add3A_187 : i32 to index
    %get3A_189 = tpu.vector_load %arg4[%get3A_188] {strides = array<i32>} : memref<8192xi32, #tpu.memory_space<vmem>>, vector<16xi32>,
    %broadcast_in_dim3A_190 = arith.constant true
    %broadcast_in_dim3A_191 = vector.broadcast %broadcast_in_dim3A_190 : i1 to vector<16xi1>
    %masked_cumsum3A_192 = tpu.scan <sum>, %get3A_189 masked %broadcast_in_dim3A_191 : vector<16xi32>, vector<16xi1> -> vector<16xi32>
    %add3A_193 = vector.broadcast %add3A_181 : i32 to vector<16xi32>
    %add3A_194 = arith.addi %masked_cumsum3A_192, %add3A_193 : vector<16xi32>
    %reduce_sum3A_195 = arith.constant true
    %reduce_sum3A_196 = vector.broadcast %reduce_sum3A_195 : i1 to vector<16xi1>
    %reduce_sum3A_197 = tpu.scan <sum>, %get3A_189 masked %reduce_sum3A_196 : vector<16xi32>, vector<16xi1> -> vector<16xi32>
    %reduce_sum3A_198 = vector.extract %reduce_sum3A_197[15] : i32 from vector<16xi32>
    %add3A_199 = arith.addi %add3A_181, %reduce_sum3A_198 : i32
    %mul3A_200 = arith.muli %add3A_194, %get3A_189 : vector<16xi32>
    %convert_element_type3A_201 = arith.sitofp %mul3A_200 : vector<16xi32> to vector<16xf32>
    %swap3A_202 = arith.constant 128 : index
    %swap3A_203 = tpu.vector_load %arg5[%swap3A_202] {strides = array<i32>} : memref<1024xf32, #tpu.memory_space<vmem>>, vector<16xf32>,
    tpu.vector_store %arg5[%swap3A_202], %convert_element_type3A_201 {strides = array<i32>} : memref<1024xf32, #tpu.memory_space<vmem>>, vector<16xf32>,
    %add3A_204 = arith.constant 144 : i32
    %add3A_205 = arith.addi %mul3A_34, %add3A_204 : i32
    %get3A_206 = arith.index_cast %add3A_205 : i32 to index
    %get3A_207 = tpu.vector_load %arg4[%get3A_206] {strides = array<i32>} : memref<8192xi32, #tpu.memory_space<vmem>>, vector<16xi32>,
    %broadcast_in_dim3A_208 = arith.constant true
    %broadcast_in_dim3A_209 = vector.broadcast %broadcast_in_dim3A_208 : i1 to vector<16xi1>
    %masked_cumsum3A_210 = tpu.scan <sum>, %get3A_207 masked %broadcast_in_dim3A_209 : vector<16xi32>, vector<16xi1> -> vector<16xi32>
    %add3A_211 = vector.broadcast %add3A_199 : i32 to vector<16xi32>
    %add3A_212 = arith.addi %masked_cumsum3A_210, %add3A_211 : vector<16xi32>
    %reduce_sum3A_213 = arith.constant true
    %reduce_sum3A_214 = vector.broadcast %reduce_sum3A_213 : i1 to vector<16xi1>
    %reduce_sum3A_215 = tpu.scan <sum>, %get3A_207 masked %reduce_sum3A_214 : vector<16xi32>, vector<16xi1> -> vector<16xi32>
    %reduce_sum3A_216 = vector.extract %reduce_sum3A_215[15] : i32 from vector<16xi32>
    %add3A_217 = arith.addi %add3A_199, %reduce_sum3A_216 : i32
    %mul3A_218 = arith.muli %add3A_212, %get3A_207 : vector<16xi32>
    %convert_element_type3A_219 = arith.sitofp %mul3A_218 : vector<16xi32> to vector<16xf32>
    %swap3A_220 = arith.constant 144 : index
    %swap3A_221 = tpu.vector_load %arg5[%swap3A_220] {strides = array<i32>} : memref<1024xf32, #tpu.memory_space<vmem>>, vector<16xf32>,
    tpu.vector_store %arg5[%swap3A_220], %convert_element_type3A_219 {strides = array<i32>} : memref<1024xf32, #tpu.memory_space<vmem>>, vector<16xf32>,
    %add3A_222 = arith.constant 160 : i32
    %add3A_223 = arith.addi %mul3A_34, %add3A_222 : i32
    %get3A_224 = arith.index_cast %add3A_223 : i32 to index
    %get3A_225 = tpu.vector_load %arg4[%get3A_224] {strides = array<i32>} : memref<8192xi32, #tpu.memory_space<vmem>>, vector<16xi32>,
    %broadcast_in_dim3A_226 = arith.constant true
    %broadcast_in_dim3A_227 = vector.broadcast %broadcast_in_dim3A_226 : i1 to vector<16xi1>
    %masked_cumsum3A_228 = tpu.scan <sum>, %get3A_225 masked %broadcast_in_dim3A_227 : vector<16xi32>, vector<16xi1> -> vector<16xi32>
    %add3A_229 = vector.broadcast %add3A_217 : i32 to vector<16xi32>
    %add3A_230 = arith.addi %masked_cumsum3A_228, %add3A_229 : vector<16xi32>
    %reduce_sum3A_231 = arith.constant true
    %reduce_sum3A_232 = vector.broadcast %reduce_sum3A_231 : i1 to vector<16xi1>
    %reduce_sum3A_233 = tpu.scan <sum>, %get3A_225 masked %reduce_sum3A_232 : vector<16xi32>, vector<16xi1> -> vector<16xi32>
    %reduce_sum3A_234 = vector.extract %reduce_sum3A_233[15] : i32 from vector<16xi32>
    %add3A_235 = arith.addi %add3A_217, %reduce_sum3A_234 : i32
    %mul3A_236 = arith.muli %add3A_230, %get3A_225 : vector<16xi32>
    %convert_element_type3A_237 = arith.sitofp %mul3A_236 : vector<16xi32> to vector<16xf32>
    %swap3A_238 = arith.constant 160 : index
    %swap3A_239 = tpu.vector_load %arg5[%swap3A_238] {strides = array<i32>} : memref<1024xf32, #tpu.memory_space<vmem>>, vector<16xf32>,
    tpu.vector_store %arg5[%swap3A_238], %convert_element_type3A_237 {strides = array<i32>} : memref<1024xf32, #tpu.memory_space<vmem>>, vector<16xf32>,
    %add3A_240 = arith.constant 176 : i32
    %add3A_241 = arith.addi %mul3A_34, %add3A_240 : i32
    %get3A_242 = arith.index_cast %add3A_241 : i32 to index
    %get3A_243 = tpu.vector_load %arg4[%get3A_242] {strides = array<i32>} : memref<8192xi32, #tpu.memory_space<vmem>>, vector<16xi32>,
    %broadcast_in_dim3A_244 = arith.constant true
    %broadcast_in_dim3A_245 = vector.broadcast %broadcast_in_dim3A_244 : i1 to vector<16xi1>
    %masked_cumsum3A_246 = tpu.scan <sum>, %get3A_243 masked %broadcast_in_dim3A_245 : vector<16xi32>, vector<16xi1> -> vector<16xi32>
    %add3A_247 = vector.broadcast %add3A_235 : i32 to vector<16xi32>
    %add3A_248 = arith.addi %masked_cumsum3A_246, %add3A_247 : vector<16xi32>
    %reduce_sum3A_249 = arith.constant true
    %reduce_sum3A_250 = vector.broadcast %reduce_sum3A_249 : i1 to vector<16xi1>
    %reduce_sum3A_251 = tpu.scan <sum>, %get3A_243 masked %reduce_sum3A_250 : vector<16xi32>, vector<16xi1> -> vector<16xi32>
    %reduce_sum3A_252 = vector.extract %reduce_sum3A_251[15] : i32 from vector<16xi32>
    %add3A_253 = arith.addi %add3A_235, %reduce_sum3A_252 : i32
    %mul3A_254 = arith.muli %add3A_248, %get3A_243 : vector<16xi32>
    %convert_element_type3A_255 = arith.sitofp %mul3A_254 : vector<16xi32> to vector<16xf32>
    %swap3A_256 = arith.constant 176 : index
    %swap3A_257 = tpu.vector_load %arg5[%swap3A_256] {strides = array<i32>} : memref<1024xf32, #tpu.memory_space<vmem>>, vector<16xf32>,
    tpu.vector_store %arg5[%swap3A_256], %convert_element_type3A_255 {strides = array<i32>} : memref<1024xf32, #tpu.memory_space<vmem>>, vector<16xf32>,
    %add3A_258 = arith.constant 192 : i32
    %add3A_259 = arith.addi %mul3A_34, %add3A_258 : i32
    %get3A_260 = arith.index_cast %add3A_259 : i32 to index
    %get3A_261 = tpu.vector_load %arg4[%get3A_260] {strides = array<i32>} : memref<8192xi32, #tpu.memory_space<vmem>>, vector<16xi32>,
    %broadcast_in_dim3A_262 = arith.constant true
    %broadcast_in_dim3A_263 = vector.broadcast %broadcast_in_dim3A_262 : i1 to vector<16xi1>
    %masked_cumsum3A_264 = tpu.scan <sum>, %get3A_261 masked %broadcast_in_dim3A_263 : vector<16xi32>, vector<16xi1> -> vector<16xi32>
    %add3A_265 = vector.broadcast %add3A_253 : i32 to vector<16xi32>
    %add3A_266 = arith.addi %masked_cumsum3A_264, %add3A_265 : vector<16xi32>
    %reduce_sum3A_267 = arith.constant true
    %reduce_sum3A_268 = vector.broadcast %reduce_sum3A_267 : i1 to vector<16xi1>
    %reduce_sum3A_269 = tpu.scan <sum>, %get3A_261 masked %reduce_sum3A_268 : vector<16xi32>, vector<16xi1> -> vector<16xi32>
    %reduce_sum3A_270 = vector.extract %reduce_sum3A_269[15] : i32 from vector<16xi32>
    %add3A_271 = arith.addi %add3A_253, %reduce_sum3A_270 : i32
    %mul3A_272 = arith.muli %add3A_266, %get3A_261 : vector<16xi32>
    %convert_element_type3A_273 = arith.sitofp %mul3A_272 : vector<16xi32> to vector<16xf32>
    %swap3A_274 = arith.constant 192 : index
    %swap3A_275 = tpu.vector_load %arg5[%swap3A_274] {strides = array<i32>} : memref<1024xf32, #tpu.memory_space<vmem>>, vector<16xf32>,
    tpu.vector_store %arg5[%swap3A_274], %convert_element_type3A_273 {strides = array<i32>} : memref<1024xf32, #tpu.memory_space<vmem>>, vector<16xf32>,
    %add3A_276 = arith.constant 208 : i32
    %add3A_277 = arith.addi %mul3A_34, %add3A_276 : i32
    %get3A_278 = arith.index_cast %add3A_277 : i32 to index
    %get3A_279 = tpu.vector_load %arg4[%get3A_278] {strides = array<i32>} : memref<8192xi32, #tpu.memory_space<vmem>>, vector<16xi32>,
    %broadcast_in_dim3A_280 = arith.constant true
    %broadcast_in_dim3A_281 = vector.broadcast %broadcast_in_dim3A_280 : i1 to vector<16xi1>
    %masked_cumsum3A_282 = tpu.scan <sum>, %get3A_279 masked %broadcast_in_dim3A_281 : vector<16xi32>, vector<16xi1> -> vector<16xi32>
    %add3A_283 = vector.broadcast %add3A_271 : i32 to vector<16xi32>
    %add3A_284 = arith.addi %masked_cumsum3A_282, %add3A_283 : vector<16xi32>
    %reduce_sum3A_285 = arith.constant true
    %reduce_sum3A_286 = vector.broadcast %reduce_sum3A_285 : i1 to vector<16xi1>
    %reduce_sum3A_287 = tpu.scan <sum>, %get3A_279 masked %reduce_sum3A_286 : vector<16xi32>, vector<16xi1> -> vector<16xi32>
    %reduce_sum3A_288 = vector.extract %reduce_sum3A_287[15] : i32 from vector<16xi32>
    %add3A_289 = arith.addi %add3A_271, %reduce_sum3A_288 : i32
    %mul3A_290 = arith.muli %add3A_284, %get3A_279 : vector<16xi32>
    %convert_element_type3A_291 = arith.sitofp %mul3A_290 : vector<16xi32> to vector<16xf32>
    %swap3A_292 = arith.constant 208 : index
    %swap3A_293 = tpu.vector_load %arg5[%swap3A_292] {strides = array<i32>} : memref<1024xf32, #tpu.memory_space<vmem>>, vector<16xf32>,
    tpu.vector_store %arg5[%swap3A_292], %convert_element_type3A_291 {strides = array<i32>} : memref<1024xf32, #tpu.memory_space<vmem>>, vector<16xf32>,
    %add3A_294 = arith.constant 224 : i32
    %add3A_295 = arith.addi %mul3A_34, %add3A_294 : i32
    %get3A_296 = arith.index_cast %add3A_295 : i32 to index
    %get3A_297 = tpu.vector_load %arg4[%get3A_296] {strides = array<i32>} : memref<8192xi32, #tpu.memory_space<vmem>>, vector<16xi32>,
    %broadcast_in_dim3A_298 = arith.constant true
    %broadcast_in_dim3A_299 = vector.broadcast %broadcast_in_dim3A_298 : i1 to vector<16xi1>
    %masked_cumsum3A_300 = tpu.scan <sum>, %get3A_297 masked %broadcast_in_dim3A_299 : vector<16xi32>, vector<16xi1> -> vector<16xi32>
    %add3A_301 = vector.broadcast %add3A_289 : i32 to vector<16xi32>
    %add3A_302 = arith.addi %masked_cumsum3A_300, %add3A_301 : vector<16xi32>
    %reduce_sum3A_303 = arith.constant true
    %reduce_sum3A_304 = vector.broadcast %reduce_sum3A_303 : i1 to vector<16xi1>
    %reduce_sum3A_305 = tpu.scan <sum>, %get3A_297 masked %reduce_sum3A_304 : vector<16xi32>, vector<16xi1> -> vector<16xi32>
    %reduce_sum3A_306 = vector.extract %reduce_sum3A_305[15] : i32 from vector<16xi32>
    %add3A_307 = arith.addi %add3A_289, %reduce_sum3A_306 : i32
    %mul3A_308 = arith.muli %add3A_302, %get3A_297 : vector<16xi32>
    %convert_element_type3A_309 = arith.sitofp %mul3A_308 : vector<16xi32> to vector<16xf32>
    %swap3A_310 = arith.constant 224 : index
    %swap3A_311 = tpu.vector_load %arg5[%swap3A_310] {strides = array<i32>} : memref<1024xf32, #tpu.memory_space<vmem>>, vector<16xf32>,
    tpu.vector_store %arg5[%swap3A_310], %convert_element_type3A_309 {strides = array<i32>} : memref<1024xf32, #tpu.memory_space<vmem>>, vector<16xf32>,
    %add3A_312 = arith.constant 240 : i32
    %add3A_313 = arith.addi %mul3A_34, %add3A_312 : i32
    %get3A_314 = arith.index_cast %add3A_313 : i32 to index
    %get3A_315 = tpu.vector_load %arg4[%get3A_314] {strides = array<i32>} : memref<8192xi32, #tpu.memory_space<vmem>>, vector<16xi32>,
    %broadcast_in_dim3A_316 = arith.constant true
    %broadcast_in_dim3A_317 = vector.broadcast %broadcast_in_dim3A_316 : i1 to vector<16xi1>
    %masked_cumsum3A_318 = tpu.scan <sum>, %get3A_315 masked %broadcast_in_dim3A_317 : vector<16xi32>, vector<16xi1> -> vector<16xi32>
    %add3A_319 = vector.broadcast %add3A_307 : i32 to vector<16xi32>
    %add3A_320 = arith.addi %masked_cumsum3A_318, %add3A_319 : vector<16xi32>
    %reduce_sum3A_321 = arith.constant true
    %reduce_sum3A_322 = vector.broadcast %reduce_sum3A_321 : i1 to vector<16xi1>
    %reduce_sum3A_323 = tpu.scan <sum>, %get3A_315 masked %reduce_sum3A_322 : vector<16xi32>, vector<16xi1> -> vector<16xi32>
    %reduce_sum3A_324 = vector.extract %reduce_sum3A_323[15] : i32 from vector<16xi32>
    %add3A_325 = arith.addi %add3A_307, %reduce_sum3A_324 : i32
    %mul3A_326 = arith.muli %add3A_320, %get3A_315 : vector<16xi32>
    %convert_element_type3A_327 = arith.sitofp %mul3A_326 : vector<16xi32> to vector<16xf32>
    %swap3A_328 = arith.constant 240 : index
    %swap3A_329 = tpu.vector_load %arg5[%swap3A_328] {strides = array<i32>} : memref<1024xf32, #tpu.memory_space<vmem>>, vector<16xf32>,
    tpu.vector_store %arg5[%swap3A_328], %convert_element_type3A_327 {strides = array<i32>} : memref<1024xf32, #tpu.memory_space<vmem>>, vector<16xf32>,
    %add3A_330 = arith.constant 256 : i32
    %add3A_331 = arith.addi %mul3A_34, %add3A_330 : i32
    %get3A_332 = arith.index_cast %add3A_331 : i32 to index
    %get3A_333 = tpu.vector_load %arg4[%get3A_332] {strides = array<i32>} : memref<8192xi32, #tpu.memory_space<vmem>>, vector<16xi32>,
    %broadcast_in_dim3A_334 = arith.constant true
    %broadcast_in_dim3A_335 = vector.broadcast %broadcast_in_dim3A_334 : i1 to vector<16xi1>
    %masked_cumsum3A_336 = tpu.scan <sum>, %get3A_333 masked %broadcast_in_dim3A_335 : vector<16xi32>, vector<16xi1> -> vector<16xi32>
    %add3A_337 = vector.broadcast %add3A_325 : i32 to vector<16xi32>
    %add3A_338 = arith.addi %masked_cumsum3A_336, %add3A_337 : vector<16xi32>
    %reduce_sum3A_339 = arith.constant true
    %reduce_sum3A_340 = vector.broadcast %reduce_sum3A_339 : i1 to vector<16xi1>
    %reduce_sum3A_341 = tpu.scan <sum>, %get3A_333 masked %reduce_sum3A_340 : vector<16xi32>, vector<16xi1> -> vector<16xi32>
    %reduce_sum3A_342 = vector.extract %reduce_sum3A_341[15] : i32 from vector<16xi32>
    %add3A_343 = arith.addi %add3A_325, %reduce_sum3A_342 : i32
    %mul3A_344 = arith.muli %add3A_338, %get3A_333 : vector<16xi32>
    %convert_element_type3A_345 = arith.sitofp %mul3A_344 : vector<16xi32> to vector<16xf32>
    %swap3A_346 = arith.constant 256 : index
    %swap3A_347 = tpu.vector_load %arg5[%swap3A_346] {strides = array<i32>} : memref<1024xf32, #tpu.memory_space<vmem>>, vector<16xf32>,
    tpu.vector_store %arg5[%swap3A_346], %convert_element_type3A_345 {strides = array<i32>} : memref<1024xf32, #tpu.memory_space<vmem>>, vector<16xf32>,
    %add3A_348 = arith.constant 272 : i32
    %add3A_349 = arith.addi %mul3A_34, %add3A_348 : i32
    %get3A_350 = arith.index_cast %add3A_349 : i32 to index
    %get3A_351 = tpu.vector_load %arg4[%get3A_350] {strides = array<i32>} : memref<8192xi32, #tpu.memory_space<vmem>>, vector<16xi32>,
    %broadcast_in_dim3A_352 = arith.constant true
    %broadcast_in_dim3A_353 = vector.broadcast %broadcast_in_dim3A_352 : i1 to vector<16xi1>
    %masked_cumsum3A_354 = tpu.scan <sum>, %get3A_351 masked %broadcast_in_dim3A_353 : vector<16xi32>, vector<16xi1> -> vector<16xi32>
    %add3A_355 = vector.broadcast %add3A_343 : i32 to vector<16xi32>
    %add3A_356 = arith.addi %masked_cumsum3A_354, %add3A_355 : vector<16xi32>
    %reduce_sum3A_357 = arith.constant true
    %reduce_sum3A_358 = vector.broadcast %reduce_sum3A_357 : i1 to vector<16xi1>
    %reduce_sum3A_359 = tpu.scan <sum>, %get3A_351 masked %reduce_sum3A_358 : vector<16xi32>, vector<16xi1> -> vector<16xi32>
    %reduce_sum3A_360 = vector.extract %reduce_sum3A_359[15] : i32 from vector<16xi32>
    %add3A_361 = arith.addi %add3A_343, %reduce_sum3A_360 : i32
    %mul3A_362 = arith.muli %add3A_356, %get3A_351 : vector<16xi32>
    %convert_element_type3A_363 = arith.sitofp %mul3A_362 : vector<16xi32> to vector<16xf32>
    %swap3A_364 = arith.constant 272 : index
    %swap3A_365 = tpu.vector_load %arg5[%swap3A_364] {strides = array<i32>} : memref<1024xf32, #tpu.memory_space<vmem>>, vector<16xf32>,
    tpu.vector_store %arg5[%swap3A_364], %convert_element_type3A_363 {strides = array<i32>} : memref<1024xf32, #tpu.memory_space<vmem>>, vector<16xf32>,
    %add3A_366 = arith.constant 288 : i32
    %add3A_367 = arith.addi %mul3A_34, %add3A_366 : i32
    %get3A_368 = arith.index_cast %add3A_367 : i32 to index
    %get3A_369 = tpu.vector_load %arg4[%get3A_368] {strides = array<i32>} : memref<8192xi32, #tpu.memory_space<vmem>>, vector<16xi32>,
    %broadcast_in_dim3A_370 = arith.constant true
    %broadcast_in_dim3A_371 = vector.broadcast %broadcast_in_dim3A_370 : i1 to vector<16xi1>
    %masked_cumsum3A_372 = tpu.scan <sum>, %get3A_369 masked %broadcast_in_dim3A_371 : vector<16xi32>, vector<16xi1> -> vector<16xi32>
    %add3A_373 = vector.broadcast %add3A_361 : i32 to vector<16xi32>
    %add3A_374 = arith.addi %masked_cumsum3A_372, %add3A_373 : vector<16xi32>
    %reduce_sum3A_375 = arith.constant true
    %reduce_sum3A_376 = vector.broadcast %reduce_sum3A_375 : i1 to vector<16xi1>
    %reduce_sum3A_377 = tpu.scan <sum>, %get3A_369 masked %reduce_sum3A_376 : vector<16xi32>, vector<16xi1> -> vector<16xi32>
    %reduce_sum3A_378 = vector.extract %reduce_sum3A_377[15] : i32 from vector<16xi32>
    %add3A_379 = arith.addi %add3A_361, %reduce_sum3A_378 : i32
    %mul3A_380 = arith.muli %add3A_374, %get3A_369 : vector<16xi32>
    %convert_element_type3A_381 = arith.sitofp %mul3A_380 : vector<16xi32> to vector<16xf32>
    %swap3A_382 = arith.constant 288 : index
    %swap3A_383 = tpu.vector_load %arg5[%swap3A_382] {strides = array<i32>} : memref<1024xf32, #tpu.memory_space<vmem>>, vector<16xf32>,
    tpu.vector_store %arg5[%swap3A_382], %convert_element_type3A_381 {strides = array<i32>} : memref<1024xf32, #tpu.memory_space<vmem>>, vector<16xf32>,
    %add3A_384 = arith.constant 304 : i32
    %add3A_385 = arith.addi %mul3A_34, %add3A_384 : i32
    %get3A_386 = arith.index_cast %add3A_385 : i32 to index
    %get3A_387 = tpu.vector_load %arg4[%get3A_386] {strides = array<i32>} : memref<8192xi32, #tpu.memory_space<vmem>>, vector<16xi32>,
    %broadcast_in_dim3A_388 = arith.constant true
    %broadcast_in_dim3A_389 = vector.broadcast %broadcast_in_dim3A_388 : i1 to vector<16xi1>
    %masked_cumsum3A_390 = tpu.scan <sum>, %get3A_387 masked %broadcast_in_dim3A_389 : vector<16xi32>, vector<16xi1> -> vector<16xi32>
    %add3A_391 = vector.broadcast %add3A_379 : i32 to vector<16xi32>
    %add3A_392 = arith.addi %masked_cumsum3A_390, %add3A_391 : vector<16xi32>
    %reduce_sum3A_393 = arith.constant true
    %reduce_sum3A_394 = vector.broadcast %reduce_sum3A_393 : i1 to vector<16xi1>
    %reduce_sum3A_395 = tpu.scan <sum>, %get3A_387 masked %reduce_sum3A_394 : vector<16xi32>, vector<16xi1> -> vector<16xi32>
    %reduce_sum3A_396 = vector.extract %reduce_sum3A_395[15] : i32 from vector<16xi32>
    %add3A_397 = arith.addi %add3A_379, %reduce_sum3A_396 : i32
    %mul3A_398 = arith.muli %add3A_392, %get3A_387 : vector<16xi32>
    %convert_element_type3A_399 = arith.sitofp %mul3A_398 : vector<16xi32> to vector<16xf32>
    %swap3A_400 = arith.constant 304 : index
    %swap3A_401 = tpu.vector_load %arg5[%swap3A_400] {strides = array<i32>} : memref<1024xf32, #tpu.memory_space<vmem>>, vector<16xf32>,
    tpu.vector_store %arg5[%swap3A_400], %convert_element_type3A_399 {strides = array<i32>} : memref<1024xf32, #tpu.memory_space<vmem>>, vector<16xf32>,
    %add3A_402 = arith.constant 320 : i32
    %add3A_403 = arith.addi %mul3A_34, %add3A_402 : i32
    %get3A_404 = arith.index_cast %add3A_403 : i32 to index
    %get3A_405 = tpu.vector_load %arg4[%get3A_404] {strides = array<i32>} : memref<8192xi32, #tpu.memory_space<vmem>>, vector<16xi32>,
    %broadcast_in_dim3A_406 = arith.constant true
    %broadcast_in_dim3A_407 = vector.broadcast %broadcast_in_dim3A_406 : i1 to vector<16xi1>
    %masked_cumsum3A_408 = tpu.scan <sum>, %get3A_405 masked %broadcast_in_dim3A_407 : vector<16xi32>, vector<16xi1> -> vector<16xi32>
    %add3A_409 = vector.broadcast %add3A_397 : i32 to vector<16xi32>
    %add3A_410 = arith.addi %masked_cumsum3A_408, %add3A_409 : vector<16xi32>
    %reduce_sum3A_411 = arith.constant true
    %reduce_sum3A_412 = vector.broadcast %reduce_sum3A_411 : i1 to vector<16xi1>
    %reduce_sum3A_413 = tpu.scan <sum>, %get3A_405 masked %reduce_sum3A_412 : vector<16xi32>, vector<16xi1> -> vector<16xi32>
    %reduce_sum3A_414 = vector.extract %reduce_sum3A_413[15] : i32 from vector<16xi32>
    %add3A_415 = arith.addi %add3A_397, %reduce_sum3A_414 : i32
    %mul3A_416 = arith.muli %add3A_410, %get3A_405 : vector<16xi32>
    %convert_element_type3A_417 = arith.sitofp %mul3A_416 : vector<16xi32> to vector<16xf32>
    %swap3A_418 = arith.constant 320 : index
    %swap3A_419 = tpu.vector_load %arg5[%swap3A_418] {strides = array<i32>} : memref<1024xf32, #tpu.memory_space<vmem>>, vector<16xf32>,
    tpu.vector_store %arg5[%swap3A_418], %convert_element_type3A_417 {strides = array<i32>} : memref<1024xf32, #tpu.memory_space<vmem>>, vector<16xf32>,
    %add3A_420 = arith.constant 336 : i32
    %add3A_421 = arith.addi %mul3A_34, %add3A_420 : i32
    %get3A_422 = arith.index_cast %add3A_421 : i32 to index
    %get3A_423 = tpu.vector_load %arg4[%get3A_422] {strides = array<i32>} : memref<8192xi32, #tpu.memory_space<vmem>>, vector<16xi32>,
    %broadcast_in_dim3A_424 = arith.constant true
    %broadcast_in_dim3A_425 = vector.broadcast %broadcast_in_dim3A_424 : i1 to vector<16xi1>
    %masked_cumsum3A_426 = tpu.scan <sum>, %get3A_423 masked %broadcast_in_dim3A_425 : vector<16xi32>, vector<16xi1> -> vector<16xi32>
    %add3A_427 = vector.broadcast %add3A_415 : i32 to vector<16xi32>
    %add3A_428 = arith.addi %masked_cumsum3A_426, %add3A_427 : vector<16xi32>
    %reduce_sum3A_429 = arith.constant true
    %reduce_sum3A_430 = vector.broadcast %reduce_sum3A_429 : i1 to vector<16xi1>
    %reduce_sum3A_431 = tpu.scan <sum>, %get3A_423 masked %reduce_sum3A_430 : vector<16xi32>, vector<16xi1> -> vector<16xi32>
    %reduce_sum3A_432 = vector.extract %reduce_sum3A_431[15] : i32 from vector<16xi32>
    %add3A_433 = arith.addi %add3A_415, %reduce_sum3A_432 : i32
    %mul3A_434 = arith.muli %add3A_428, %get3A_423 : vector<16xi32>
    %convert_element_type3A_435 = arith.sitofp %mul3A_434 : vector<16xi32> to vector<16xf32>
    %swap3A_436 = arith.constant 336 : index
    %swap3A_437 = tpu.vector_load %arg5[%swap3A_436] {strides = array<i32>} : memref<1024xf32, #tpu.memory_space<vmem>>, vector<16xf32>,
    tpu.vector_store %arg5[%swap3A_436], %convert_element_type3A_435 {strides = array<i32>} : memref<1024xf32, #tpu.memory_space<vmem>>, vector<16xf32>,
    %add3A_438 = arith.constant 352 : i32
    %add3A_439 = arith.addi %mul3A_34, %add3A_438 : i32
    %get3A_440 = arith.index_cast %add3A_439 : i32 to index
    %get3A_441 = tpu.vector_load %arg4[%get3A_440] {strides = array<i32>} : memref<8192xi32, #tpu.memory_space<vmem>>, vector<16xi32>,
    %broadcast_in_dim3A_442 = arith.constant true
    %broadcast_in_dim3A_443 = vector.broadcast %broadcast_in_dim3A_442 : i1 to vector<16xi1>
    %masked_cumsum3A_444 = tpu.scan <sum>, %get3A_441 masked %broadcast_in_dim3A_443 : vector<16xi32>, vector<16xi1> -> vector<16xi32>
    %add3A_445 = vector.broadcast %add3A_433 : i32 to vector<16xi32>
    %add3A_446 = arith.addi %masked_cumsum3A_444, %add3A_445 : vector<16xi32>
    %reduce_sum3A_447 = arith.constant true
    %reduce_sum3A_448 = vector.broadcast %reduce_sum3A_447 : i1 to vector<16xi1>
    %reduce_sum3A_449 = tpu.scan <sum>, %get3A_441 masked %reduce_sum3A_448 : vector<16xi32>, vector<16xi1> -> vector<16xi32>
    %reduce_sum3A_450 = vector.extract %reduce_sum3A_449[15] : i32 from vector<16xi32>
    %add3A_451 = arith.addi %add3A_433, %reduce_sum3A_450 : i32
    %mul3A_452 = arith.muli %add3A_446, %get3A_441 : vector<16xi32>
    %convert_element_type3A_453 = arith.sitofp %mul3A_452 : vector<16xi32> to vector<16xf32>
    %swap3A_454 = arith.constant 352 : index
    %swap3A_455 = tpu.vector_load %arg5[%swap3A_454] {strides = array<i32>} : memref<1024xf32, #tpu.memory_space<vmem>>, vector<16xf32>,
    tpu.vector_store %arg5[%swap3A_454], %convert_element_type3A_453 {strides = array<i32>} : memref<1024xf32, #tpu.memory_space<vmem>>, vector<16xf32>,
    %add3A_456 = arith.constant 368 : i32
    %add3A_457 = arith.addi %mul3A_34, %add3A_456 : i32
    %get3A_458 = arith.index_cast %add3A_457 : i32 to index
    %get3A_459 = tpu.vector_load %arg4[%get3A_458] {strides = array<i32>} : memref<8192xi32, #tpu.memory_space<vmem>>, vector<16xi32>,
    %broadcast_in_dim3A_460 = arith.constant true
    %broadcast_in_dim3A_461 = vector.broadcast %broadcast_in_dim3A_460 : i1 to vector<16xi1>
    %masked_cumsum3A_462 = tpu.scan <sum>, %get3A_459 masked %broadcast_in_dim3A_461 : vector<16xi32>, vector<16xi1> -> vector<16xi32>
    %add3A_463 = vector.broadcast %add3A_451 : i32 to vector<16xi32>
    %add3A_464 = arith.addi %masked_cumsum3A_462, %add3A_463 : vector<16xi32>
    %reduce_sum3A_465 = arith.constant true
    %reduce_sum3A_466 = vector.broadcast %reduce_sum3A_465 : i1 to vector<16xi1>
    %reduce_sum3A_467 = tpu.scan <sum>, %get3A_459 masked %reduce_sum3A_466 : vector<16xi32>, vector<16xi1> -> vector<16xi32>
    %reduce_sum3A_468 = vector.extract %reduce_sum3A_467[15] : i32 from vector<16xi32>
    %add3A_469 = arith.addi %add3A_451, %reduce_sum3A_468 : i32
    %mul3A_470 = arith.muli %add3A_464, %get3A_459 : vector<16xi32>
    %convert_element_type3A_471 = arith.sitofp %mul3A_470 : vector<16xi32> to vector<16xf32>
    %swap3A_472 = arith.constant 368 : index
    %swap3A_473 = tpu.vector_load %arg5[%swap3A_472] {strides = array<i32>} : memref<1024xf32, #tpu.memory_space<vmem>>, vector<16xf32>,
    tpu.vector_store %arg5[%swap3A_472], %convert_element_type3A_471 {strides = array<i32>} : memref<1024xf32, #tpu.memory_space<vmem>>, vector<16xf32>,
    %add3A_474 = arith.constant 384 : i32
    %add3A_475 = arith.addi %mul3A_34, %add3A_474 : i32
    %get3A_476 = arith.index_cast %add3A_475 : i32 to index
    %get3A_477 = tpu.vector_load %arg4[%get3A_476] {strides = array<i32>} : memref<8192xi32, #tpu.memory_space<vmem>>, vector<16xi32>,
    %broadcast_in_dim3A_478 = arith.constant true
    %broadcast_in_dim3A_479 = vector.broadcast %broadcast_in_dim3A_478 : i1 to vector<16xi1>
    %masked_cumsum3A_480 = tpu.scan <sum>, %get3A_477 masked %broadcast_in_dim3A_479 : vector<16xi32>, vector<16xi1> -> vector<16xi32>
    %add3A_481 = vector.broadcast %add3A_469 : i32 to vector<16xi32>
    %add3A_482 = arith.addi %masked_cumsum3A_480, %add3A_481 : vector<16xi32>
    %reduce_sum3A_483 = arith.constant true
    %reduce_sum3A_484 = vector.broadcast %reduce_sum3A_483 : i1 to vector<16xi1>
    %reduce_sum3A_485 = tpu.scan <sum>, %get3A_477 masked %reduce_sum3A_484 : vector<16xi32>, vector<16xi1> -> vector<16xi32>
    %reduce_sum3A_486 = vector.extract %reduce_sum3A_485[15] : i32 from vector<16xi32>
    %add3A_487 = arith.addi %add3A_469, %reduce_sum3A_486 : i32
    %mul3A_488 = arith.muli %add3A_482, %get3A_477 : vector<16xi32>
    %convert_element_type3A_489 = arith.sitofp %mul3A_488 : vector<16xi32> to vector<16xf32>
    %swap3A_490 = arith.constant 384 : index
    %swap3A_491 = tpu.vector_load %arg5[%swap3A_490] {strides = array<i32>} : memref<1024xf32, #tpu.memory_space<vmem>>, vector<16xf32>,
    tpu.vector_store %arg5[%swap3A_490], %convert_element_type3A_489 {strides = array<i32>} : memref<1024xf32, #tpu.memory_space<vmem>>, vector<16xf32>,
    %add3A_492 = arith.constant 400 : i32
    %add3A_493 = arith.addi %mul3A_34, %add3A_492 : i32
    %get3A_494 = arith.index_cast %add3A_493 : i32 to index
    %get3A_495 = tpu.vector_load %arg4[%get3A_494] {strides = array<i32>} : memref<8192xi32, #tpu.memory_space<vmem>>, vector<16xi32>,
    %broadcast_in_dim3A_496 = arith.constant true
    %broadcast_in_dim3A_497 = vector.broadcast %broadcast_in_dim3A_496 : i1 to vector<16xi1>
    %masked_cumsum3A_498 = tpu.scan <sum>, %get3A_495 masked %broadcast_in_dim3A_497 : vector<16xi32>, vector<16xi1> -> vector<16xi32>
    %add3A_499 = vector.broadcast %add3A_487 : i32 to vector<16xi32>
    %add3A_500 = arith.addi %masked_cumsum3A_498, %add3A_499 : vector<16xi32>
    %reduce_sum3A_501 = arith.constant true
    %reduce_sum3A_502 = vector.broadcast %reduce_sum3A_501 : i1 to vector<16xi1>
    %reduce_sum3A_503 = tpu.scan <sum>, %get3A_495 masked %reduce_sum3A_502 : vector<16xi32>, vector<16xi1> -> vector<16xi32>
    %reduce_sum3A_504 = vector.extract %reduce_sum3A_503[15] : i32 from vector<16xi32>
    %add3A_505 = arith.addi %add3A_487, %reduce_sum3A_504 : i32
    %mul3A_506 = arith.muli %add3A_500, %get3A_495 : vector<16xi32>
    %convert_element_type3A_507 = arith.sitofp %mul3A_506 : vector<16xi32> to vector<16xf32>
    %swap3A_508 = arith.constant 400 : index
    %swap3A_509 = tpu.vector_load %arg5[%swap3A_508] {strides = array<i32>} : memref<1024xf32, #tpu.memory_space<vmem>>, vector<16xf32>,
    tpu.vector_store %arg5[%swap3A_508], %convert_element_type3A_507 {strides = array<i32>} : memref<1024xf32, #tpu.memory_space<vmem>>, vector<16xf32>,
    %add3A_510 = arith.constant 416 : i32
    %add3A_511 = arith.addi %mul3A_34, %add3A_510 : i32
    %get3A_512 = arith.index_cast %add3A_511 : i32 to index
    %get3A_513 = tpu.vector_load %arg4[%get3A_512] {strides = array<i32>} : memref<8192xi32, #tpu.memory_space<vmem>>, vector<16xi32>,
    %broadcast_in_dim3A_514 = arith.constant true
    %broadcast_in_dim3A_515 = vector.broadcast %broadcast_in_dim3A_514 : i1 to vector<16xi1>
    %masked_cumsum3A_516 = tpu.scan <sum>, %get3A_513 masked %broadcast_in_dim3A_515 : vector<16xi32>, vector<16xi1> -> vector<16xi32>
    %add3A_517 = vector.broadcast %add3A_505 : i32 to vector<16xi32>
    %add3A_518 = arith.addi %masked_cumsum3A_516, %add3A_517 : vector<16xi32>
    %reduce_sum3A_519 = arith.constant true
    %reduce_sum3A_520 = vector.broadcast %reduce_sum3A_519 : i1 to vector<16xi1>
    %reduce_sum3A_521 = tpu.scan <sum>, %get3A_513 masked %reduce_sum3A_520 : vector<16xi32>, vector<16xi1> -> vector<16xi32>
    %reduce_sum3A_522 = vector.extract %reduce_sum3A_521[15] : i32 from vector<16xi32>
    %add3A_523 = arith.addi %add3A_505, %reduce_sum3A_522 : i32
    %mul3A_524 = arith.muli %add3A_518, %get3A_513 : vector<16xi32>
    %convert_element_type3A_525 = arith.sitofp %mul3A_524 : vector<16xi32> to vector<16xf32>
    %swap3A_526 = arith.constant 416 : index
    %swap3A_527 = tpu.vector_load %arg5[%swap3A_526] {strides = array<i32>} : memref<1024xf32, #tpu.memory_space<vmem>>, vector<16xf32>,
    tpu.vector_store %arg5[%swap3A_526], %convert_element_type3A_525 {strides = array<i32>} : memref<1024xf32, #tpu.memory_space<vmem>>, vector<16xf32>,
    %add3A_528 = arith.constant 432 : i32
    %add3A_529 = arith.addi %mul3A_34, %add3A_528 : i32
    %get3A_530 = arith.index_cast %add3A_529 : i32 to index
    %get3A_531 = tpu.vector_load %arg4[%get3A_530] {strides = array<i32>} : memref<8192xi32, #tpu.memory_space<vmem>>, vector<16xi32>,
    %broadcast_in_dim3A_532 = arith.constant true
    %broadcast_in_dim3A_533 = vector.broadcast %broadcast_in_dim3A_532 : i1 to vector<16xi1>
    %masked_cumsum3A_534 = tpu.scan <sum>, %get3A_531 masked %broadcast_in_dim3A_533 : vector<16xi32>, vector<16xi1> -> vector<16xi32>
    %add3A_535 = vector.broadcast %add3A_523 : i32 to vector<16xi32>
    %add3A_536 = arith.addi %masked_cumsum3A_534, %add3A_535 : vector<16xi32>
    %reduce_sum3A_537 = arith.constant true
    %reduce_sum3A_538 = vector.broadcast %reduce_sum3A_537 : i1 to vector<16xi1>
    %reduce_sum3A_539 = tpu.scan <sum>, %get3A_531 masked %reduce_sum3A_538 : vector<16xi32>, vector<16xi1> -> vector<16xi32>
    %reduce_sum3A_540 = vector.extract %reduce_sum3A_539[15] : i32 from vector<16xi32>
    %add3A_541 = arith.addi %add3A_523, %reduce_sum3A_540 : i32
    %mul3A_542 = arith.muli %add3A_536, %get3A_531 : vector<16xi32>
    %convert_element_type3A_543 = arith.sitofp %mul3A_542 : vector<16xi32> to vector<16xf32>
    %swap3A_544 = arith.constant 432 : index
    %swap3A_545 = tpu.vector_load %arg5[%swap3A_544] {strides = array<i32>} : memref<1024xf32, #tpu.memory_space<vmem>>, vector<16xf32>,
    tpu.vector_store %arg5[%swap3A_544], %convert_element_type3A_543 {strides = array<i32>} : memref<1024xf32, #tpu.memory_space<vmem>>, vector<16xf32>,
    %add3A_546 = arith.constant 448 : i32
    %add3A_547 = arith.addi %mul3A_34, %add3A_546 : i32
    %get3A_548 = arith.index_cast %add3A_547 : i32 to index
    %get3A_549 = tpu.vector_load %arg4[%get3A_548] {strides = array<i32>} : memref<8192xi32, #tpu.memory_space<vmem>>, vector<16xi32>,
    %broadcast_in_dim3A_550 = arith.constant true
    %broadcast_in_dim3A_551 = vector.broadcast %broadcast_in_dim3A_550 : i1 to vector<16xi1>
    %masked_cumsum3A_552 = tpu.scan <sum>, %get3A_549 masked %broadcast_in_dim3A_551 : vector<16xi32>, vector<16xi1> -> vector<16xi32>
    %add3A_553 = vector.broadcast %add3A_541 : i32 to vector<16xi32>
    %add3A_554 = arith.addi %masked_cumsum3A_552, %add3A_553 : vector<16xi32>
    %reduce_sum3A_555 = arith.constant true
    %reduce_sum3A_556 = vector.broadcast %reduce_sum3A_555 : i1 to vector<16xi1>
    %reduce_sum3A_557 = tpu.scan <sum>, %get3A_549 masked %reduce_sum3A_556 : vector<16xi32>, vector<16xi1> -> vector<16xi32>
    %reduce_sum3A_558 = vector.extract %reduce_sum3A_557[15] : i32 from vector<16xi32>
    %add3A_559 = arith.addi %add3A_541, %reduce_sum3A_558 : i32
    %mul3A_560 = arith.muli %add3A_554, %get3A_549 : vector<16xi32>
    %convert_element_type3A_561 = arith.sitofp %mul3A_560 : vector<16xi32> to vector<16xf32>
    %swap3A_562 = arith.constant 448 : index
    %swap3A_563 = tpu.vector_load %arg5[%swap3A_562] {strides = array<i32>} : memref<1024xf32, #tpu.memory_space<vmem>>, vector<16xf32>,
    tpu.vector_store %arg5[%swap3A_562], %convert_element_type3A_561 {strides = array<i32>} : memref<1024xf32, #tpu.memory_space<vmem>>, vector<16xf32>,
    %add3A_564 = arith.constant 464 : i32
    %add3A_565 = arith.addi %mul3A_34, %add3A_564 : i32
    %get3A_566 = arith.index_cast %add3A_565 : i32 to index
    %get3A_567 = tpu.vector_load %arg4[%get3A_566] {strides = array<i32>} : memref<8192xi32, #tpu.memory_space<vmem>>, vector<16xi32>,
    %broadcast_in_dim3A_568 = arith.constant true
    %broadcast_in_dim3A_569 = vector.broadcast %broadcast_in_dim3A_568 : i1 to vector<16xi1>
    %masked_cumsum3A_570 = tpu.scan <sum>, %get3A_567 masked %broadcast_in_dim3A_569 : vector<16xi32>, vector<16xi1> -> vector<16xi32>
    %add3A_571 = vector.broadcast %add3A_559 : i32 to vector<16xi32>
    %add3A_572 = arith.addi %masked_cumsum3A_570, %add3A_571 : vector<16xi32>
    %reduce_sum3A_573 = arith.constant true
    %reduce_sum3A_574 = vector.broadcast %reduce_sum3A_573 : i1 to vector<16xi1>
    %reduce_sum3A_575 = tpu.scan <sum>, %get3A_567 masked %reduce_sum3A_574 : vector<16xi32>, vector<16xi1> -> vector<16xi32>
    %reduce_sum3A_576 = vector.extract %reduce_sum3A_575[15] : i32 from vector<16xi32>
    %add3A_577 = arith.addi %add3A_559, %reduce_sum3A_576 : i32
    %mul3A_578 = arith.muli %add3A_572, %get3A_567 : vector<16xi32>
    %convert_element_type3A_579 = arith.sitofp %mul3A_578 : vector<16xi32> to vector<16xf32>
    %swap3A_580 = arith.constant 464 : index
    %swap3A_581 = tpu.vector_load %arg5[%swap3A_580] {strides = array<i32>} : memref<1024xf32, #tpu.memory_space<vmem>>, vector<16xf32>,
    tpu.vector_store %arg5[%swap3A_580], %convert_element_type3A_579 {strides = array<i32>} : memref<1024xf32, #tpu.memory_space<vmem>>, vector<16xf32>,
    %add3A_582 = arith.constant 480 : i32
    %add3A_583 = arith.addi %mul3A_34, %add3A_582 : i32
    %get3A_584 = arith.index_cast %add3A_583 : i32 to index
    %get3A_585 = tpu.vector_load %arg4[%get3A_584] {strides = array<i32>} : memref<8192xi32, #tpu.memory_space<vmem>>, vector<16xi32>,
    %broadcast_in_dim3A_586 = arith.constant true
    %broadcast_in_dim3A_587 = vector.broadcast %broadcast_in_dim3A_586 : i1 to vector<16xi1>
    %masked_cumsum3A_588 = tpu.scan <sum>, %get3A_585 masked %broadcast_in_dim3A_587 : vector<16xi32>, vector<16xi1> -> vector<16xi32>
    %add3A_589 = vector.broadcast %add3A_577 : i32 to vector<16xi32>
    %add3A_590 = arith.addi %masked_cumsum3A_588, %add3A_589 : vector<16xi32>
    %reduce_sum3A_591 = arith.constant true
    %reduce_sum3A_592 = vector.broadcast %reduce_sum3A_591 : i1 to vector<16xi1>
    %reduce_sum3A_593 = tpu.scan <sum>, %get3A_585 masked %reduce_sum3A_592 : vector<16xi32>, vector<16xi1> -> vector<16xi32>
    %reduce_sum3A_594 = vector.extract %reduce_sum3A_593[15] : i32 from vector<16xi32>
    %add3A_595 = arith.addi %add3A_577, %reduce_sum3A_594 : i32
    %mul3A_596 = arith.muli %add3A_590, %get3A_585 : vector<16xi32>
    %convert_element_type3A_597 = arith.sitofp %mul3A_596 : vector<16xi32> to vector<16xf32>
    %swap3A_598 = arith.constant 480 : index
    %swap3A_599 = tpu.vector_load %arg5[%swap3A_598] {strides = array<i32>} : memref<1024xf32, #tpu.memory_space<vmem>>, vector<16xf32>,
    tpu.vector_store %arg5[%swap3A_598], %convert_element_type3A_597 {strides = array<i32>} : memref<1024xf32, #tpu.memory_space<vmem>>, vector<16xf32>,
    %add3A_600 = arith.constant 496 : i32
    %add3A_601 = arith.addi %mul3A_34, %add3A_600 : i32
    %get3A_602 = arith.index_cast %add3A_601 : i32 to index
    %get3A_603 = tpu.vector_load %arg4[%get3A_602] {strides = array<i32>} : memref<8192xi32, #tpu.memory_space<vmem>>, vector<16xi32>,
    %broadcast_in_dim3A_604 = arith.constant true
    %broadcast_in_dim3A_605 = vector.broadcast %broadcast_in_dim3A_604 : i1 to vector<16xi1>
    %masked_cumsum3A_606 = tpu.scan <sum>, %get3A_603 masked %broadcast_in_dim3A_605 : vector<16xi32>, vector<16xi1> -> vector<16xi32>
    %add3A_607 = vector.broadcast %add3A_595 : i32 to vector<16xi32>
    %add3A_608 = arith.addi %masked_cumsum3A_606, %add3A_607 : vector<16xi32>
    %reduce_sum3A_609 = arith.constant true
    %reduce_sum3A_610 = vector.broadcast %reduce_sum3A_609 : i1 to vector<16xi1>
    %reduce_sum3A_611 = tpu.scan <sum>, %get3A_603 masked %reduce_sum3A_610 : vector<16xi32>, vector<16xi1> -> vector<16xi32>
    %reduce_sum3A_612 = vector.extract %reduce_sum3A_611[15] : i32 from vector<16xi32>
    %add3A_613 = arith.addi %add3A_595, %reduce_sum3A_612 : i32
    %mul3A_614 = arith.muli %add3A_608, %get3A_603 : vector<16xi32>
    %convert_element_type3A_615 = arith.sitofp %mul3A_614 : vector<16xi32> to vector<16xf32>
    %swap3A_616 = arith.constant 496 : index
    %swap3A_617 = tpu.vector_load %arg5[%swap3A_616] {strides = array<i32>} : memref<1024xf32, #tpu.memory_space<vmem>>, vector<16xf32>,
    tpu.vector_store %arg5[%swap3A_616], %convert_element_type3A_615 {strides = array<i32>} : memref<1024xf32, #tpu.memory_space<vmem>>, vector<16xf32>,
    %add3A_618 = arith.constant 512 : i32
    %add3A_619 = arith.addi %mul3A_34, %add3A_618 : i32
    %get3A_620 = arith.index_cast %add3A_619 : i32 to index
    %get3A_621 = tpu.vector_load %arg4[%get3A_620] {strides = array<i32>} : memref<8192xi32, #tpu.memory_space<vmem>>, vector<16xi32>,
    %broadcast_in_dim3A_622 = arith.constant true
    %broadcast_in_dim3A_623 = vector.broadcast %broadcast_in_dim3A_622 : i1 to vector<16xi1>
    %masked_cumsum3A_624 = tpu.scan <sum>, %get3A_621 masked %broadcast_in_dim3A_623 : vector<16xi32>, vector<16xi1> -> vector<16xi32>
    %add3A_625 = vector.broadcast %add3A_613 : i32 to vector<16xi32>
    %add3A_626 = arith.addi %masked_cumsum3A_624, %add3A_625 : vector<16xi32>
    %reduce_sum3A_627 = arith.constant true
    %reduce_sum3A_628 = vector.broadcast %reduce_sum3A_627 : i1 to vector<16xi1>
    %reduce_sum3A_629 = tpu.scan <sum>, %get3A_621 masked %reduce_sum3A_628 : vector<16xi32>, vector<16xi1> -> vector<16xi32>
    %reduce_sum3A_630 = vector.extract %reduce_sum3A_629[15] : i32 from vector<16xi32>
    %add3A_631 = arith.addi %add3A_613, %reduce_sum3A_630 : i32
    %mul3A_632 = arith.muli %add3A_626, %get3A_621 : vector<16xi32>
    %convert_element_type3A_633 = arith.sitofp %mul3A_632 : vector<16xi32> to vector<16xf32>
    %swap3A_634 = arith.constant 512 : index
    %swap3A_635 = tpu.vector_load %arg5[%swap3A_634] {strides = array<i32>} : memref<1024xf32, #tpu.memory_space<vmem>>, vector<16xf32>,
    tpu.vector_store %arg5[%swap3A_634], %convert_element_type3A_633 {strides = array<i32>} : memref<1024xf32, #tpu.memory_space<vmem>>, vector<16xf32>,
    %add3A_636 = arith.constant 528 : i32
    %add3A_637 = arith.addi %mul3A_34, %add3A_636 : i32
    %get3A_638 = arith.index_cast %add3A_637 : i32 to index
    %get3A_639 = tpu.vector_load %arg4[%get3A_638] {strides = array<i32>} : memref<8192xi32, #tpu.memory_space<vmem>>, vector<16xi32>,
    %broadcast_in_dim3A_640 = arith.constant true
    %broadcast_in_dim3A_641 = vector.broadcast %broadcast_in_dim3A_640 : i1 to vector<16xi1>
    %masked_cumsum3A_642 = tpu.scan <sum>, %get3A_639 masked %broadcast_in_dim3A_641 : vector<16xi32>, vector<16xi1> -> vector<16xi32>
    %add3A_643 = vector.broadcast %add3A_631 : i32 to vector<16xi32>
    %add3A_644 = arith.addi %masked_cumsum3A_642, %add3A_643 : vector<16xi32>
    %reduce_sum3A_645 = arith.constant true
    %reduce_sum3A_646 = vector.broadcast %reduce_sum3A_645 : i1 to vector<16xi1>
    %reduce_sum3A_647 = tpu.scan <sum>, %get3A_639 masked %reduce_sum3A_646 : vector<16xi32>, vector<16xi1> -> vector<16xi32>
    %reduce_sum3A_648 = vector.extract %reduce_sum3A_647[15] : i32 from vector<16xi32>
    %add3A_649 = arith.addi %add3A_631, %reduce_sum3A_648 : i32
    %mul3A_650 = arith.muli %add3A_644, %get3A_639 : vector<16xi32>
    %convert_element_type3A_651 = arith.sitofp %mul3A_650 : vector<16xi32> to vector<16xf32>
    %swap3A_652 = arith.constant 528 : index
    %swap3A_653 = tpu.vector_load %arg5[%swap3A_652] {strides = array<i32>} : memref<1024xf32, #tpu.memory_space<vmem>>, vector<16xf32>,
    tpu.vector_store %arg5[%swap3A_652], %convert_element_type3A_651 {strides = array<i32>} : memref<1024xf32, #tpu.memory_space<vmem>>, vector<16xf32>,
    %add3A_654 = arith.constant 544 : i32
    %add3A_655 = arith.addi %mul3A_34, %add3A_654 : i32
    %get3A_656 = arith.index_cast %add3A_655 : i32 to index
    %get3A_657 = tpu.vector_load %arg4[%get3A_656] {strides = array<i32>} : memref<8192xi32, #tpu.memory_space<vmem>>, vector<16xi32>,
    %broadcast_in_dim3A_658 = arith.constant true
    %broadcast_in_dim3A_659 = vector.broadcast %broadcast_in_dim3A_658 : i1 to vector<16xi1>
    %masked_cumsum3A_660 = tpu.scan <sum>, %get3A_657 masked %broadcast_in_dim3A_659 : vector<16xi32>, vector<16xi1> -> vector<16xi32>
    %add3A_661 = vector.broadcast %add3A_649 : i32 to vector<16xi32>
    %add3A_662 = arith.addi %masked_cumsum3A_660, %add3A_661 : vector<16xi32>
    %reduce_sum3A_663 = arith.constant true
    %reduce_sum3A_664 = vector.broadcast %reduce_sum3A_663 : i1 to vector<16xi1>
    %reduce_sum3A_665 = tpu.scan <sum>, %get3A_657 masked %reduce_sum3A_664 : vector<16xi32>, vector<16xi1> -> vector<16xi32>
    %reduce_sum3A_666 = vector.extract %reduce_sum3A_665[15] : i32 from vector<16xi32>
    %add3A_667 = arith.addi %add3A_649, %reduce_sum3A_666 : i32
    %mul3A_668 = arith.muli %add3A_662, %get3A_657 : vector<16xi32>
    %convert_element_type3A_669 = arith.sitofp %mul3A_668 : vector<16xi32> to vector<16xf32>
    %swap3A_670 = arith.constant 544 : index
    %swap3A_671 = tpu.vector_load %arg5[%swap3A_670] {strides = array<i32>} : memref<1024xf32, #tpu.memory_space<vmem>>, vector<16xf32>,
    tpu.vector_store %arg5[%swap3A_670], %convert_element_type3A_669 {strides = array<i32>} : memref<1024xf32, #tpu.memory_space<vmem>>, vector<16xf32>,
    %add3A_672 = arith.constant 560 : i32
    %add3A_673 = arith.addi %mul3A_34, %add3A_672 : i32
    %get3A_674 = arith.index_cast %add3A_673 : i32 to index
    %get3A_675 = tpu.vector_load %arg4[%get3A_674] {strides = array<i32>} : memref<8192xi32, #tpu.memory_space<vmem>>, vector<16xi32>,
    %broadcast_in_dim3A_676 = arith.constant true
    %broadcast_in_dim3A_677 = vector.broadcast %broadcast_in_dim3A_676 : i1 to vector<16xi1>
    %masked_cumsum3A_678 = tpu.scan <sum>, %get3A_675 masked %broadcast_in_dim3A_677 : vector<16xi32>, vector<16xi1> -> vector<16xi32>
    %add3A_679 = vector.broadcast %add3A_667 : i32 to vector<16xi32>
    %add3A_680 = arith.addi %masked_cumsum3A_678, %add3A_679 : vector<16xi32>
    %reduce_sum3A_681 = arith.constant true
    %reduce_sum3A_682 = vector.broadcast %reduce_sum3A_681 : i1 to vector<16xi1>
    %reduce_sum3A_683 = tpu.scan <sum>, %get3A_675 masked %reduce_sum3A_682 : vector<16xi32>, vector<16xi1> -> vector<16xi32>
    %reduce_sum3A_684 = vector.extract %reduce_sum3A_683[15] : i32 from vector<16xi32>
    %add3A_685 = arith.addi %add3A_667, %reduce_sum3A_684 : i32
    %mul3A_686 = arith.muli %add3A_680, %get3A_675 : vector<16xi32>
    %convert_element_type3A_687 = arith.sitofp %mul3A_686 : vector<16xi32> to vector<16xf32>
    %swap3A_688 = arith.constant 560 : index
    %swap3A_689 = tpu.vector_load %arg5[%swap3A_688] {strides = array<i32>} : memref<1024xf32, #tpu.memory_space<vmem>>, vector<16xf32>,
    tpu.vector_store %arg5[%swap3A_688], %convert_element_type3A_687 {strides = array<i32>} : memref<1024xf32, #tpu.memory_space<vmem>>, vector<16xf32>,
    %add3A_690 = arith.constant 576 : i32
    %add3A_691 = arith.addi %mul3A_34, %add3A_690 : i32
    %get3A_692 = arith.index_cast %add3A_691 : i32 to index
    %get3A_693 = tpu.vector_load %arg4[%get3A_692] {strides = array<i32>} : memref<8192xi32, #tpu.memory_space<vmem>>, vector<16xi32>,
    %broadcast_in_dim3A_694 = arith.constant true
    %broadcast_in_dim3A_695 = vector.broadcast %broadcast_in_dim3A_694 : i1 to vector<16xi1>
    %masked_cumsum3A_696 = tpu.scan <sum>, %get3A_693 masked %broadcast_in_dim3A_695 : vector<16xi32>, vector<16xi1> -> vector<16xi32>
    %add3A_697 = vector.broadcast %add3A_685 : i32 to vector<16xi32>
    %add3A_698 = arith.addi %masked_cumsum3A_696, %add3A_697 : vector<16xi32>
    %reduce_sum3A_699 = arith.constant true
    %reduce_sum3A_700 = vector.broadcast %reduce_sum3A_699 : i1 to vector<16xi1>
    %reduce_sum3A_701 = tpu.scan <sum>, %get3A_693 masked %reduce_sum3A_700 : vector<16xi32>, vector<16xi1> -> vector<16xi32>
    %reduce_sum3A_702 = vector.extract %reduce_sum3A_701[15] : i32 from vector<16xi32>
    %add3A_703 = arith.addi %add3A_685, %reduce_sum3A_702 : i32
    %mul3A_704 = arith.muli %add3A_698, %get3A_693 : vector<16xi32>
    %convert_element_type3A_705 = arith.sitofp %mul3A_704 : vector<16xi32> to vector<16xf32>
    %swap3A_706 = arith.constant 576 : index
    %swap3A_707 = tpu.vector_load %arg5[%swap3A_706] {strides = array<i32>} : memref<1024xf32, #tpu.memory_space<vmem>>, vector<16xf32>,
    tpu.vector_store %arg5[%swap3A_706], %convert_element_type3A_705 {strides = array<i32>} : memref<1024xf32, #tpu.memory_space<vmem>>, vector<16xf32>,
    %add3A_708 = arith.constant 592 : i32
    %add3A_709 = arith.addi %mul3A_34, %add3A_708 : i32
    %get3A_710 = arith.index_cast %add3A_709 : i32 to index
    %get3A_711 = tpu.vector_load %arg4[%get3A_710] {strides = array<i32>} : memref<8192xi32, #tpu.memory_space<vmem>>, vector<16xi32>,
    %broadcast_in_dim3A_712 = arith.constant true
    %broadcast_in_dim3A_713 = vector.broadcast %broadcast_in_dim3A_712 : i1 to vector<16xi1>
    %masked_cumsum3A_714 = tpu.scan <sum>, %get3A_711 masked %broadcast_in_dim3A_713 : vector<16xi32>, vector<16xi1> -> vector<16xi32>
    %add3A_715 = vector.broadcast %add3A_703 : i32 to vector<16xi32>
    %add3A_716 = arith.addi %masked_cumsum3A_714, %add3A_715 : vector<16xi32>
    %reduce_sum3A_717 = arith.constant true
    %reduce_sum3A_718 = vector.broadcast %reduce_sum3A_717 : i1 to vector<16xi1>
    %reduce_sum3A_719 = tpu.scan <sum>, %get3A_711 masked %reduce_sum3A_718 : vector<16xi32>, vector<16xi1> -> vector<16xi32>
    %reduce_sum3A_720 = vector.extract %reduce_sum3A_719[15] : i32 from vector<16xi32>
    %add3A_721 = arith.addi %add3A_703, %reduce_sum3A_720 : i32
    %mul3A_722 = arith.muli %add3A_716, %get3A_711 : vector<16xi32>
    %convert_element_type3A_723 = arith.sitofp %mul3A_722 : vector<16xi32> to vector<16xf32>
    %swap3A_724 = arith.constant 592 : index
    %swap3A_725 = tpu.vector_load %arg5[%swap3A_724] {strides = array<i32>} : memref<1024xf32, #tpu.memory_space<vmem>>, vector<16xf32>,
    tpu.vector_store %arg5[%swap3A_724], %convert_element_type3A_723 {strides = array<i32>} : memref<1024xf32, #tpu.memory_space<vmem>>, vector<16xf32>,
    %add3A_726 = arith.constant 608 : i32
    %add3A_727 = arith.addi %mul3A_34, %add3A_726 : i32
    %get3A_728 = arith.index_cast %add3A_727 : i32 to index
    %get3A_729 = tpu.vector_load %arg4[%get3A_728] {strides = array<i32>} : memref<8192xi32, #tpu.memory_space<vmem>>, vector<16xi32>,
    %broadcast_in_dim3A_730 = arith.constant true
    %broadcast_in_dim3A_731 = vector.broadcast %broadcast_in_dim3A_730 : i1 to vector<16xi1>
    %masked_cumsum3A_732 = tpu.scan <sum>, %get3A_729 masked %broadcast_in_dim3A_731 : vector<16xi32>, vector<16xi1> -> vector<16xi32>
    %add3A_733 = vector.broadcast %add3A_721 : i32 to vector<16xi32>
    %add3A_734 = arith.addi %masked_cumsum3A_732, %add3A_733 : vector<16xi32>
    %reduce_sum3A_735 = arith.constant true
    %reduce_sum3A_736 = vector.broadcast %reduce_sum3A_735 : i1 to vector<16xi1>
    %reduce_sum3A_737 = tpu.scan <sum>, %get3A_729 masked %reduce_sum3A_736 : vector<16xi32>, vector<16xi1> -> vector<16xi32>
    %reduce_sum3A_738 = vector.extract %reduce_sum3A_737[15] : i32 from vector<16xi32>
    %add3A_739 = arith.addi %add3A_721, %reduce_sum3A_738 : i32
    %mul3A_740 = arith.muli %add3A_734, %get3A_729 : vector<16xi32>
    %convert_element_type3A_741 = arith.sitofp %mul3A_740 : vector<16xi32> to vector<16xf32>
    %swap3A_742 = arith.constant 608 : index
    %swap3A_743 = tpu.vector_load %arg5[%swap3A_742] {strides = array<i32>} : memref<1024xf32, #tpu.memory_space<vmem>>, vector<16xf32>,
    tpu.vector_store %arg5[%swap3A_742], %convert_element_type3A_741 {strides = array<i32>} : memref<1024xf32, #tpu.memory_space<vmem>>, vector<16xf32>,
    %add3A_744 = arith.constant 624 : i32
    %add3A_745 = arith.addi %mul3A_34, %add3A_744 : i32
    %get3A_746 = arith.index_cast %add3A_745 : i32 to index
    %get3A_747 = tpu.vector_load %arg4[%get3A_746] {strides = array<i32>} : memref<8192xi32, #tpu.memory_space<vmem>>, vector<16xi32>,
    %broadcast_in_dim3A_748 = arith.constant true
    %broadcast_in_dim3A_749 = vector.broadcast %broadcast_in_dim3A_748 : i1 to vector<16xi1>
    %masked_cumsum3A_750 = tpu.scan <sum>, %get3A_747 masked %broadcast_in_dim3A_749 : vector<16xi32>, vector<16xi1> -> vector<16xi32>
    %add3A_751 = vector.broadcast %add3A_739 : i32 to vector<16xi32>
    %add3A_752 = arith.addi %masked_cumsum3A_750, %add3A_751 : vector<16xi32>
    %reduce_sum3A_753 = arith.constant true
    %reduce_sum3A_754 = vector.broadcast %reduce_sum3A_753 : i1 to vector<16xi1>
    %reduce_sum3A_755 = tpu.scan <sum>, %get3A_747 masked %reduce_sum3A_754 : vector<16xi32>, vector<16xi1> -> vector<16xi32>
    %reduce_sum3A_756 = vector.extract %reduce_sum3A_755[15] : i32 from vector<16xi32>
    %add3A_757 = arith.addi %add3A_739, %reduce_sum3A_756 : i32
    %mul3A_758 = arith.muli %add3A_752, %get3A_747 : vector<16xi32>
    %convert_element_type3A_759 = arith.sitofp %mul3A_758 : vector<16xi32> to vector<16xf32>
    %swap3A_760 = arith.constant 624 : index
    %swap3A_761 = tpu.vector_load %arg5[%swap3A_760] {strides = array<i32>} : memref<1024xf32, #tpu.memory_space<vmem>>, vector<16xf32>,
    tpu.vector_store %arg5[%swap3A_760], %convert_element_type3A_759 {strides = array<i32>} : memref<1024xf32, #tpu.memory_space<vmem>>, vector<16xf32>,
    %add3A_762 = arith.constant 640 : i32
    %add3A_763 = arith.addi %mul3A_34, %add3A_762 : i32
    %get3A_764 = arith.index_cast %add3A_763 : i32 to index
    %get3A_765 = tpu.vector_load %arg4[%get3A_764] {strides = array<i32>} : memref<8192xi32, #tpu.memory_space<vmem>>, vector<16xi32>,
    %broadcast_in_dim3A_766 = arith.constant true
    %broadcast_in_dim3A_767 = vector.broadcast %broadcast_in_dim3A_766 : i1 to vector<16xi1>
    %masked_cumsum3A_768 = tpu.scan <sum>, %get3A_765 masked %broadcast_in_dim3A_767 : vector<16xi32>, vector<16xi1> -> vector<16xi32>
    %add3A_769 = vector.broadcast %add3A_757 : i32 to vector<16xi32>
    %add3A_770 = arith.addi %masked_cumsum3A_768, %add3A_769 : vector<16xi32>
    %reduce_sum3A_771 = arith.constant true
    %reduce_sum3A_772 = vector.broadcast %reduce_sum3A_771 : i1 to vector<16xi1>
    %reduce_sum3A_773 = tpu.scan <sum>, %get3A_765 masked %reduce_sum3A_772 : vector<16xi32>, vector<16xi1> -> vector<16xi32>
    %reduce_sum3A_774 = vector.extract %reduce_sum3A_773[15] : i32 from vector<16xi32>
    %add3A_775 = arith.addi %add3A_757, %reduce_sum3A_774 : i32
    %mul3A_776 = arith.muli %add3A_770, %get3A_765 : vector<16xi32>
    %convert_element_type3A_777 = arith.sitofp %mul3A_776 : vector<16xi32> to vector<16xf32>
    %swap3A_778 = arith.constant 640 : index
    %swap3A_779 = tpu.vector_load %arg5[%swap3A_778] {strides = array<i32>} : memref<1024xf32, #tpu.memory_space<vmem>>, vector<16xf32>,
    tpu.vector_store %arg5[%swap3A_778], %convert_element_type3A_777 {strides = array<i32>} : memref<1024xf32, #tpu.memory_space<vmem>>, vector<16xf32>,
    %add3A_780 = arith.constant 656 : i32
    %add3A_781 = arith.addi %mul3A_34, %add3A_780 : i32
    %get3A_782 = arith.index_cast %add3A_781 : i32 to index
    %get3A_783 = tpu.vector_load %arg4[%get3A_782] {strides = array<i32>} : memref<8192xi32, #tpu.memory_space<vmem>>, vector<16xi32>,
    %broadcast_in_dim3A_784 = arith.constant true
    %broadcast_in_dim3A_785 = vector.broadcast %broadcast_in_dim3A_784 : i1 to vector<16xi1>
    %masked_cumsum3A_786 = tpu.scan <sum>, %get3A_783 masked %broadcast_in_dim3A_785 : vector<16xi32>, vector<16xi1> -> vector<16xi32>
    %add3A_787 = vector.broadcast %add3A_775 : i32 to vector<16xi32>
    %add3A_788 = arith.addi %masked_cumsum3A_786, %add3A_787 : vector<16xi32>
    %reduce_sum3A_789 = arith.constant true
    %reduce_sum3A_790 = vector.broadcast %reduce_sum3A_789 : i1 to vector<16xi1>
    %reduce_sum3A_791 = tpu.scan <sum>, %get3A_783 masked %reduce_sum3A_790 : vector<16xi32>, vector<16xi1> -> vector<16xi32>
    %reduce_sum3A_792 = vector.extract %reduce_sum3A_791[15] : i32 from vector<16xi32>
    %add3A_793 = arith.addi %add3A_775, %reduce_sum3A_792 : i32
    %mul3A_794 = arith.muli %add3A_788, %get3A_783 : vector<16xi32>
    %convert_element_type3A_795 = arith.sitofp %mul3A_794 : vector<16xi32> to vector<16xf32>
    %swap3A_796 = arith.constant 656 : index
    %swap3A_797 = tpu.vector_load %arg5[%swap3A_796] {strides = array<i32>} : memref<1024xf32, #tpu.memory_space<vmem>>, vector<16xf32>,
    tpu.vector_store %arg5[%swap3A_796], %convert_element_type3A_795 {strides = array<i32>} : memref<1024xf32, #tpu.memory_space<vmem>>, vector<16xf32>,
    %add3A_798 = arith.constant 672 : i32
    %add3A_799 = arith.addi %mul3A_34, %add3A_798 : i32
    %get3A_800 = arith.index_cast %add3A_799 : i32 to index
    %get3A_801 = tpu.vector_load %arg4[%get3A_800] {strides = array<i32>} : memref<8192xi32, #tpu.memory_space<vmem>>, vector<16xi32>,
    %broadcast_in_dim3A_802 = arith.constant true
    %broadcast_in_dim3A_803 = vector.broadcast %broadcast_in_dim3A_802 : i1 to vector<16xi1>
    %masked_cumsum3A_804 = tpu.scan <sum>, %get3A_801 masked %broadcast_in_dim3A_803 : vector<16xi32>, vector<16xi1> -> vector<16xi32>
    %add3A_805 = vector.broadcast %add3A_793 : i32 to vector<16xi32>
    %add3A_806 = arith.addi %masked_cumsum3A_804, %add3A_805 : vector<16xi32>
    %reduce_sum3A_807 = arith.constant true
    %reduce_sum3A_808 = vector.broadcast %reduce_sum3A_807 : i1 to vector<16xi1>
    %reduce_sum3A_809 = tpu.scan <sum>, %get3A_801 masked %reduce_sum3A_808 : vector<16xi32>, vector<16xi1> -> vector<16xi32>
    %reduce_sum3A_810 = vector.extract %reduce_sum3A_809[15] : i32 from vector<16xi32>
    %add3A_811 = arith.addi %add3A_793, %reduce_sum3A_810 : i32
    %mul3A_812 = arith.muli %add3A_806, %get3A_801 : vector<16xi32>
    %convert_element_type3A_813 = arith.sitofp %mul3A_812 : vector<16xi32> to vector<16xf32>
    %swap3A_814 = arith.constant 672 : index
    %swap3A_815 = tpu.vector_load %arg5[%swap3A_814] {strides = array<i32>} : memref<1024xf32, #tpu.memory_space<vmem>>, vector<16xf32>,
    tpu.vector_store %arg5[%swap3A_814], %convert_element_type3A_813 {strides = array<i32>} : memref<1024xf32, #tpu.memory_space<vmem>>, vector<16xf32>,
    %add3A_816 = arith.constant 688 : i32
    %add3A_817 = arith.addi %mul3A_34, %add3A_816 : i32
    %get3A_818 = arith.index_cast %add3A_817 : i32 to index
    %get3A_819 = tpu.vector_load %arg4[%get3A_818] {strides = array<i32>} : memref<8192xi32, #tpu.memory_space<vmem>>, vector<16xi32>,
    %broadcast_in_dim3A_820 = arith.constant true
    %broadcast_in_dim3A_821 = vector.broadcast %broadcast_in_dim3A_820 : i1 to vector<16xi1>
    %masked_cumsum3A_822 = tpu.scan <sum>, %get3A_819 masked %broadcast_in_dim3A_821 : vector<16xi32>, vector<16xi1> -> vector<16xi32>
    %add3A_823 = vector.broadcast %add3A_811 : i32 to vector<16xi32>
    %add3A_824 = arith.addi %masked_cumsum3A_822, %add3A_823 : vector<16xi32>
    %reduce_sum3A_825 = arith.constant true
    %reduce_sum3A_826 = vector.broadcast %reduce_sum3A_825 : i1 to vector<16xi1>
    %reduce_sum3A_827 = tpu.scan <sum>, %get3A_819 masked %reduce_sum3A_826 : vector<16xi32>, vector<16xi1> -> vector<16xi32>
    %reduce_sum3A_828 = vector.extract %reduce_sum3A_827[15] : i32 from vector<16xi32>
    %add3A_829 = arith.addi %add3A_811, %reduce_sum3A_828 : i32
    %mul3A_830 = arith.muli %add3A_824, %get3A_819 : vector<16xi32>
    %convert_element_type3A_831 = arith.sitofp %mul3A_830 : vector<16xi32> to vector<16xf32>
    %swap3A_832 = arith.constant 688 : index
    %swap3A_833 = tpu.vector_load %arg5[%swap3A_832] {strides = array<i32>} : memref<1024xf32, #tpu.memory_space<vmem>>, vector<16xf32>,
    tpu.vector_store %arg5[%swap3A_832], %convert_element_type3A_831 {strides = array<i32>} : memref<1024xf32, #tpu.memory_space<vmem>>, vector<16xf32>,
    %add3A_834 = arith.constant 704 : i32
    %add3A_835 = arith.addi %mul3A_34, %add3A_834 : i32
    %get3A_836 = arith.index_cast %add3A_835 : i32 to index
    %get3A_837 = tpu.vector_load %arg4[%get3A_836] {strides = array<i32>} : memref<8192xi32, #tpu.memory_space<vmem>>, vector<16xi32>,
    %broadcast_in_dim3A_838 = arith.constant true
    %broadcast_in_dim3A_839 = vector.broadcast %broadcast_in_dim3A_838 : i1 to vector<16xi1>
    %masked_cumsum3A_840 = tpu.scan <sum>, %get3A_837 masked %broadcast_in_dim3A_839 : vector<16xi32>, vector<16xi1> -> vector<16xi32>
    %add3A_841 = vector.broadcast %add3A_829 : i32 to vector<16xi32>
    %add3A_842 = arith.addi %masked_cumsum3A_840, %add3A_841 : vector<16xi32>
    %reduce_sum3A_843 = arith.constant true
    %reduce_sum3A_844 = vector.broadcast %reduce_sum3A_843 : i1 to vector<16xi1>
    %reduce_sum3A_845 = tpu.scan <sum>, %get3A_837 masked %reduce_sum3A_844 : vector<16xi32>, vector<16xi1> -> vector<16xi32>
    %reduce_sum3A_846 = vector.extract %reduce_sum3A_845[15] : i32 from vector<16xi32>
    %add3A_847 = arith.addi %add3A_829, %reduce_sum3A_846 : i32
    %mul3A_848 = arith.muli %add3A_842, %get3A_837 : vector<16xi32>
    %convert_element_type3A_849 = arith.sitofp %mul3A_848 : vector<16xi32> to vector<16xf32>
    %swap3A_850 = arith.constant 704 : index
    %swap3A_851 = tpu.vector_load %arg5[%swap3A_850] {strides = array<i32>} : memref<1024xf32, #tpu.memory_space<vmem>>, vector<16xf32>,
    tpu.vector_store %arg5[%swap3A_850], %convert_element_type3A_849 {strides = array<i32>} : memref<1024xf32, #tpu.memory_space<vmem>>, vector<16xf32>,
    %add3A_852 = arith.constant 720 : i32
    %add3A_853 = arith.addi %mul3A_34, %add3A_852 : i32
    %get3A_854 = arith.index_cast %add3A_853 : i32 to index
    %get3A_855 = tpu.vector_load %arg4[%get3A_854] {strides = array<i32>} : memref<8192xi32, #tpu.memory_space<vmem>>, vector<16xi32>,
    %broadcast_in_dim3A_856 = arith.constant true
    %broadcast_in_dim3A_857 = vector.broadcast %broadcast_in_dim3A_856 : i1 to vector<16xi1>
    %masked_cumsum3A_858 = tpu.scan <sum>, %get3A_855 masked %broadcast_in_dim3A_857 : vector<16xi32>, vector<16xi1> -> vector<16xi32>
    %add3A_859 = vector.broadcast %add3A_847 : i32 to vector<16xi32>
    %add3A_860 = arith.addi %masked_cumsum3A_858, %add3A_859 : vector<16xi32>
    %reduce_sum3A_861 = arith.constant true
    %reduce_sum3A_862 = vector.broadcast %reduce_sum3A_861 : i1 to vector<16xi1>
    %reduce_sum3A_863 = tpu.scan <sum>, %get3A_855 masked %reduce_sum3A_862 : vector<16xi32>, vector<16xi1> -> vector<16xi32>
    %reduce_sum3A_864 = vector.extract %reduce_sum3A_863[15] : i32 from vector<16xi32>
    %add3A_865 = arith.addi %add3A_847, %reduce_sum3A_864 : i32
    %mul3A_866 = arith.muli %add3A_860, %get3A_855 : vector<16xi32>
    %convert_element_type3A_867 = arith.sitofp %mul3A_866 : vector<16xi32> to vector<16xf32>
    %swap3A_868 = arith.constant 720 : index
    %swap3A_869 = tpu.vector_load %arg5[%swap3A_868] {strides = array<i32>} : memref<1024xf32, #tpu.memory_space<vmem>>, vector<16xf32>,
    tpu.vector_store %arg5[%swap3A_868], %convert_element_type3A_867 {strides = array<i32>} : memref<1024xf32, #tpu.memory_space<vmem>>, vector<16xf32>,
    %add3A_870 = arith.constant 736 : i32
    %add3A_871 = arith.addi %mul3A_34, %add3A_870 : i32
    %get3A_872 = arith.index_cast %add3A_871 : i32 to index
    %get3A_873 = tpu.vector_load %arg4[%get3A_872] {strides = array<i32>} : memref<8192xi32, #tpu.memory_space<vmem>>, vector<16xi32>,
    %broadcast_in_dim3A_874 = arith.constant true
    %broadcast_in_dim3A_875 = vector.broadcast %broadcast_in_dim3A_874 : i1 to vector<16xi1>
    %masked_cumsum3A_876 = tpu.scan <sum>, %get3A_873 masked %broadcast_in_dim3A_875 : vector<16xi32>, vector<16xi1> -> vector<16xi32>
    %add3A_877 = vector.broadcast %add3A_865 : i32 to vector<16xi32>
    %add3A_878 = arith.addi %masked_cumsum3A_876, %add3A_877 : vector<16xi32>
    %reduce_sum3A_879 = arith.constant true
    %reduce_sum3A_880 = vector.broadcast %reduce_sum3A_879 : i1 to vector<16xi1>
    %reduce_sum3A_881 = tpu.scan <sum>, %get3A_873 masked %reduce_sum3A_880 : vector<16xi32>, vector<16xi1> -> vector<16xi32>
    %reduce_sum3A_882 = vector.extract %reduce_sum3A_881[15] : i32 from vector<16xi32>
    %add3A_883 = arith.addi %add3A_865, %reduce_sum3A_882 : i32
    %mul3A_884 = arith.muli %add3A_878, %get3A_873 : vector<16xi32>
    %convert_element_type3A_885 = arith.sitofp %mul3A_884 : vector<16xi32> to vector<16xf32>
    %swap3A_886 = arith.constant 736 : index
    %swap3A_887 = tpu.vector_load %arg5[%swap3A_886] {strides = array<i32>} : memref<1024xf32, #tpu.memory_space<vmem>>, vector<16xf32>,
    tpu.vector_store %arg5[%swap3A_886], %convert_element_type3A_885 {strides = array<i32>} : memref<1024xf32, #tpu.memory_space<vmem>>, vector<16xf32>,
    %add3A_888 = arith.constant 752 : i32
    %add3A_889 = arith.addi %mul3A_34, %add3A_888 : i32
    %get3A_890 = arith.index_cast %add3A_889 : i32 to index
    %get3A_891 = tpu.vector_load %arg4[%get3A_890] {strides = array<i32>} : memref<8192xi32, #tpu.memory_space<vmem>>, vector<16xi32>,
    %broadcast_in_dim3A_892 = arith.constant true
    %broadcast_in_dim3A_893 = vector.broadcast %broadcast_in_dim3A_892 : i1 to vector<16xi1>
    %masked_cumsum3A_894 = tpu.scan <sum>, %get3A_891 masked %broadcast_in_dim3A_893 : vector<16xi32>, vector<16xi1> -> vector<16xi32>
    %add3A_895 = vector.broadcast %add3A_883 : i32 to vector<16xi32>
    %add3A_896 = arith.addi %masked_cumsum3A_894, %add3A_895 : vector<16xi32>
    %reduce_sum3A_897 = arith.constant true
    %reduce_sum3A_898 = vector.broadcast %reduce_sum3A_897 : i1 to vector<16xi1>
    %reduce_sum3A_899 = tpu.scan <sum>, %get3A_891 masked %reduce_sum3A_898 : vector<16xi32>, vector<16xi1> -> vector<16xi32>
    %reduce_sum3A_900 = vector.extract %reduce_sum3A_899[15] : i32 from vector<16xi32>
    %add3A_901 = arith.addi %add3A_883, %reduce_sum3A_900 : i32
    %mul3A_902 = arith.muli %add3A_896, %get3A_891 : vector<16xi32>
    %convert_element_type3A_903 = arith.sitofp %mul3A_902 : vector<16xi32> to vector<16xf32>
    %swap3A_904 = arith.constant 752 : index
    %swap3A_905 = tpu.vector_load %arg5[%swap3A_904] {strides = array<i32>} : memref<1024xf32, #tpu.memory_space<vmem>>, vector<16xf32>,
    tpu.vector_store %arg5[%swap3A_904], %convert_element_type3A_903 {strides = array<i32>} : memref<1024xf32, #tpu.memory_space<vmem>>, vector<16xf32>,
    %add3A_906 = arith.constant 768 : i32
    %add3A_907 = arith.addi %mul3A_34, %add3A_906 : i32
    %get3A_908 = arith.index_cast %add3A_907 : i32 to index
    %get3A_909 = tpu.vector_load %arg4[%get3A_908] {strides = array<i32>} : memref<8192xi32, #tpu.memory_space<vmem>>, vector<16xi32>,
    %broadcast_in_dim3A_910 = arith.constant true
    %broadcast_in_dim3A_911 = vector.broadcast %broadcast_in_dim3A_910 : i1 to vector<16xi1>
    %masked_cumsum3A_912 = tpu.scan <sum>, %get3A_909 masked %broadcast_in_dim3A_911 : vector<16xi32>, vector<16xi1> -> vector<16xi32>
    %add3A_913 = vector.broadcast %add3A_901 : i32 to vector<16xi32>
    %add3A_914 = arith.addi %masked_cumsum3A_912, %add3A_913 : vector<16xi32>
    %reduce_sum3A_915 = arith.constant true
    %reduce_sum3A_916 = vector.broadcast %reduce_sum3A_915 : i1 to vector<16xi1>
    %reduce_sum3A_917 = tpu.scan <sum>, %get3A_909 masked %reduce_sum3A_916 : vector<16xi32>, vector<16xi1> -> vector<16xi32>
    %reduce_sum3A_918 = vector.extract %reduce_sum3A_917[15] : i32 from vector<16xi32>
    %add3A_919 = arith.addi %add3A_901, %reduce_sum3A_918 : i32
    %mul3A_920 = arith.muli %add3A_914, %get3A_909 : vector<16xi32>
    %convert_element_type3A_921 = arith.sitofp %mul3A_920 : vector<16xi32> to vector<16xf32>
    %swap3A_922 = arith.constant 768 : index
    %swap3A_923 = tpu.vector_load %arg5[%swap3A_922] {strides = array<i32>} : memref<1024xf32, #tpu.memory_space<vmem>>, vector<16xf32>,
    tpu.vector_store %arg5[%swap3A_922], %convert_element_type3A_921 {strides = array<i32>} : memref<1024xf32, #tpu.memory_space<vmem>>, vector<16xf32>,
    %add3A_924 = arith.constant 784 : i32
    %add3A_925 = arith.addi %mul3A_34, %add3A_924 : i32
    %get3A_926 = arith.index_cast %add3A_925 : i32 to index
    %get3A_927 = tpu.vector_load %arg4[%get3A_926] {strides = array<i32>} : memref<8192xi32, #tpu.memory_space<vmem>>, vector<16xi32>,
    %broadcast_in_dim3A_928 = arith.constant true
    %broadcast_in_dim3A_929 = vector.broadcast %broadcast_in_dim3A_928 : i1 to vector<16xi1>
    %masked_cumsum3A_930 = tpu.scan <sum>, %get3A_927 masked %broadcast_in_dim3A_929 : vector<16xi32>, vector<16xi1> -> vector<16xi32>
    %add3A_931 = vector.broadcast %add3A_919 : i32 to vector<16xi32>
    %add3A_932 = arith.addi %masked_cumsum3A_930, %add3A_931 : vector<16xi32>
    %reduce_sum3A_933 = arith.constant true
    %reduce_sum3A_934 = vector.broadcast %reduce_sum3A_933 : i1 to vector<16xi1>
    %reduce_sum3A_935 = tpu.scan <sum>, %get3A_927 masked %reduce_sum3A_934 : vector<16xi32>, vector<16xi1> -> vector<16xi32>
    %reduce_sum3A_936 = vector.extract %reduce_sum3A_935[15] : i32 from vector<16xi32>
    %add3A_937 = arith.addi %add3A_919, %reduce_sum3A_936 : i32
    %mul3A_938 = arith.muli %add3A_932, %get3A_927 : vector<16xi32>
    %convert_element_type3A_939 = arith.sitofp %mul3A_938 : vector<16xi32> to vector<16xf32>
    %swap3A_940 = arith.constant 784 : index
    %swap3A_941 = tpu.vector_load %arg5[%swap3A_940] {strides = array<i32>} : memref<1024xf32, #tpu.memory_space<vmem>>, vector<16xf32>,
    tpu.vector_store %arg5[%swap3A_940], %convert_element_type3A_939 {strides = array<i32>} : memref<1024xf32, #tpu.memory_space<vmem>>, vector<16xf32>,
    %add3A_942 = arith.constant 800 : i32
    %add3A_943 = arith.addi %mul3A_34, %add3A_942 : i32
    %get3A_944 = arith.index_cast %add3A_943 : i32 to index
    %get3A_945 = tpu.vector_load %arg4[%get3A_944] {strides = array<i32>} : memref<8192xi32, #tpu.memory_space<vmem>>, vector<16xi32>,
    %broadcast_in_dim3A_946 = arith.constant true
    %broadcast_in_dim3A_947 = vector.broadcast %broadcast_in_dim3A_946 : i1 to vector<16xi1>
    %masked_cumsum3A_948 = tpu.scan <sum>, %get3A_945 masked %broadcast_in_dim3A_947 : vector<16xi32>, vector<16xi1> -> vector<16xi32>
    %add3A_949 = vector.broadcast %add3A_937 : i32 to vector<16xi32>
    %add3A_950 = arith.addi %masked_cumsum3A_948, %add3A_949 : vector<16xi32>
    %reduce_sum3A_951 = arith.constant true
    %reduce_sum3A_952 = vector.broadcast %reduce_sum3A_951 : i1 to vector<16xi1>
    %reduce_sum3A_953 = tpu.scan <sum>, %get3A_945 masked %reduce_sum3A_952 : vector<16xi32>, vector<16xi1> -> vector<16xi32>
    %reduce_sum3A_954 = vector.extract %reduce_sum3A_953[15] : i32 from vector<16xi32>
    %add3A_955 = arith.addi %add3A_937, %reduce_sum3A_954 : i32
    %mul3A_956 = arith.muli %add3A_950, %get3A_945 : vector<16xi32>
    %convert_element_type3A_957 = arith.sitofp %mul3A_956 : vector<16xi32> to vector<16xf32>
    %swap3A_958 = arith.constant 800 : index
    %swap3A_959 = tpu.vector_load %arg5[%swap3A_958] {strides = array<i32>} : memref<1024xf32, #tpu.memory_space<vmem>>, vector<16xf32>,
    tpu.vector_store %arg5[%swap3A_958], %convert_element_type3A_957 {strides = array<i32>} : memref<1024xf32, #tpu.memory_space<vmem>>, vector<16xf32>,
    %add3A_960 = arith.constant 816 : i32
    %add3A_961 = arith.addi %mul3A_34, %add3A_960 : i32
    %get3A_962 = arith.index_cast %add3A_961 : i32 to index
    %get3A_963 = tpu.vector_load %arg4[%get3A_962] {strides = array<i32>} : memref<8192xi32, #tpu.memory_space<vmem>>, vector<16xi32>,
    %broadcast_in_dim3A_964 = arith.constant true
    %broadcast_in_dim3A_965 = vector.broadcast %broadcast_in_dim3A_964 : i1 to vector<16xi1>
    %masked_cumsum3A_966 = tpu.scan <sum>, %get3A_963 masked %broadcast_in_dim3A_965 : vector<16xi32>, vector<16xi1> -> vector<16xi32>
    %add3A_967 = vector.broadcast %add3A_955 : i32 to vector<16xi32>
    %add3A_968 = arith.addi %masked_cumsum3A_966, %add3A_967 : vector<16xi32>
    %reduce_sum3A_969 = arith.constant true
    %reduce_sum3A_970 = vector.broadcast %reduce_sum3A_969 : i1 to vector<16xi1>
    %reduce_sum3A_971 = tpu.scan <sum>, %get3A_963 masked %reduce_sum3A_970 : vector<16xi32>, vector<16xi1> -> vector<16xi32>
    %reduce_sum3A_972 = vector.extract %reduce_sum3A_971[15] : i32 from vector<16xi32>
    %add3A_973 = arith.addi %add3A_955, %reduce_sum3A_972 : i32
    %mul3A_974 = arith.muli %add3A_968, %get3A_963 : vector<16xi32>
    %convert_element_type3A_975 = arith.sitofp %mul3A_974 : vector<16xi32> to vector<16xf32>
    %swap3A_976 = arith.constant 816 : index
    %swap3A_977 = tpu.vector_load %arg5[%swap3A_976] {strides = array<i32>} : memref<1024xf32, #tpu.memory_space<vmem>>, vector<16xf32>,
    tpu.vector_store %arg5[%swap3A_976], %convert_element_type3A_975 {strides = array<i32>} : memref<1024xf32, #tpu.memory_space<vmem>>, vector<16xf32>,
    %add3A_978 = arith.constant 832 : i32
    %add3A_979 = arith.addi %mul3A_34, %add3A_978 : i32
    %get3A_980 = arith.index_cast %add3A_979 : i32 to index
    %get3A_981 = tpu.vector_load %arg4[%get3A_980] {strides = array<i32>} : memref<8192xi32, #tpu.memory_space<vmem>>, vector<16xi32>,
    %broadcast_in_dim3A_982 = arith.constant true
    %broadcast_in_dim3A_983 = vector.broadcast %broadcast_in_dim3A_982 : i1 to vector<16xi1>
    %masked_cumsum3A_984 = tpu.scan <sum>, %get3A_981 masked %broadcast_in_dim3A_983 : vector<16xi32>, vector<16xi1> -> vector<16xi32>
    %add3A_985 = vector.broadcast %add3A_973 : i32 to vector<16xi32>
    %add3A_986 = arith.addi %masked_cumsum3A_984, %add3A_985 : vector<16xi32>
    %reduce_sum3A_987 = arith.constant true
    %reduce_sum3A_988 = vector.broadcast %reduce_sum3A_987 : i1 to vector<16xi1>
    %reduce_sum3A_989 = tpu.scan <sum>, %get3A_981 masked %reduce_sum3A_988 : vector<16xi32>, vector<16xi1> -> vector<16xi32>
    %reduce_sum3A_990 = vector.extract %reduce_sum3A_989[15] : i32 from vector<16xi32>
    %add3A_991 = arith.addi %add3A_973, %reduce_sum3A_990 : i32
    %mul3A_992 = arith.muli %add3A_986, %get3A_981 : vector<16xi32>
    %convert_element_type3A_993 = arith.sitofp %mul3A_992 : vector<16xi32> to vector<16xf32>
    %swap3A_994 = arith.constant 832 : index
    %swap3A_995 = tpu.vector_load %arg5[%swap3A_994] {strides = array<i32>} : memref<1024xf32, #tpu.memory_space<vmem>>, vector<16xf32>,
    tpu.vector_store %arg5[%swap3A_994], %convert_element_type3A_993 {strides = array<i32>} : memref<1024xf32, #tpu.memory_space<vmem>>, vector<16xf32>,
    %add3A_996 = arith.constant 848 : i32
    %add3A_997 = arith.addi %mul3A_34, %add3A_996 : i32
    %get3A_998 = arith.index_cast %add3A_997 : i32 to index
    %get3A_999 = tpu.vector_load %arg4[%get3A_998] {strides = array<i32>} : memref<8192xi32, #tpu.memory_space<vmem>>, vector<16xi32>,
    %broadcast_in_dim3A_1000 = arith.constant true
    %broadcast_in_dim3A_1001 = vector.broadcast %broadcast_in_dim3A_1000 : i1 to vector<16xi1>
    %masked_cumsum3A_1002 = tpu.scan <sum>, %get3A_999 masked %broadcast_in_dim3A_1001 : vector<16xi32>, vector<16xi1> -> vector<16xi32>
    %add3A_1003 = vector.broadcast %add3A_991 : i32 to vector<16xi32>
    %add3A_1004 = arith.addi %masked_cumsum3A_1002, %add3A_1003 : vector<16xi32>
    %reduce_sum3A_1005 = arith.constant true
    %reduce_sum3A_1006 = vector.broadcast %reduce_sum3A_1005 : i1 to vector<16xi1>
    %reduce_sum3A_1007 = tpu.scan <sum>, %get3A_999 masked %reduce_sum3A_1006 : vector<16xi32>, vector<16xi1> -> vector<16xi32>
    %reduce_sum3A_1008 = vector.extract %reduce_sum3A_1007[15] : i32 from vector<16xi32>
    %add3A_1009 = arith.addi %add3A_991, %reduce_sum3A_1008 : i32
    %mul3A_1010 = arith.muli %add3A_1004, %get3A_999 : vector<16xi32>
    %convert_element_type3A_1011 = arith.sitofp %mul3A_1010 : vector<16xi32> to vector<16xf32>
    %swap3A_1012 = arith.constant 848 : index
    %swap3A_1013 = tpu.vector_load %arg5[%swap3A_1012] {strides = array<i32>} : memref<1024xf32, #tpu.memory_space<vmem>>, vector<16xf32>,
    tpu.vector_store %arg5[%swap3A_1012], %convert_element_type3A_1011 {strides = array<i32>} : memref<1024xf32, #tpu.memory_space<vmem>>, vector<16xf32>,
    %add3A_1014 = arith.constant 864 : i32
    %add3A_1015 = arith.addi %mul3A_34, %add3A_1014 : i32
    %get3A_1016 = arith.index_cast %add3A_1015 : i32 to index
    %get3A_1017 = tpu.vector_load %arg4[%get3A_1016] {strides = array<i32>} : memref<8192xi32, #tpu.memory_space<vmem>>, vector<16xi32>,
    %broadcast_in_dim3A_1018 = arith.constant true
    %broadcast_in_dim3A_1019 = vector.broadcast %broadcast_in_dim3A_1018 : i1 to vector<16xi1>
    %masked_cumsum3A_1020 = tpu.scan <sum>, %get3A_1017 masked %broadcast_in_dim3A_1019 : vector<16xi32>, vector<16xi1> -> vector<16xi32>
    %add3A_1021 = vector.broadcast %add3A_1009 : i32 to vector<16xi32>
    %add3A_1022 = arith.addi %masked_cumsum3A_1020, %add3A_1021 : vector<16xi32>
    %reduce_sum3A_1023 = arith.constant true
    %reduce_sum3A_1024 = vector.broadcast %reduce_sum3A_1023 : i1 to vector<16xi1>
    %reduce_sum3A_1025 = tpu.scan <sum>, %get3A_1017 masked %reduce_sum3A_1024 : vector<16xi32>, vector<16xi1> -> vector<16xi32>
    %reduce_sum3A_1026 = vector.extract %reduce_sum3A_1025[15] : i32 from vector<16xi32>
    %add3A_1027 = arith.addi %add3A_1009, %reduce_sum3A_1026 : i32
    %mul3A_1028 = arith.muli %add3A_1022, %get3A_1017 : vector<16xi32>
    %convert_element_type3A_1029 = arith.sitofp %mul3A_1028 : vector<16xi32> to vector<16xf32>
    %swap3A_1030 = arith.constant 864 : index
    %swap3A_1031 = tpu.vector_load %arg5[%swap3A_1030] {strides = array<i32>} : memref<1024xf32, #tpu.memory_space<vmem>>, vector<16xf32>,
    tpu.vector_store %arg5[%swap3A_1030], %convert_element_type3A_1029 {strides = array<i32>} : memref<1024xf32, #tpu.memory_space<vmem>>, vector<16xf32>,
    %add3A_1032 = arith.constant 880 : i32
    %add3A_1033 = arith.addi %mul3A_34, %add3A_1032 : i32
    %get3A_1034 = arith.index_cast %add3A_1033 : i32 to index
    %get3A_1035 = tpu.vector_load %arg4[%get3A_1034] {strides = array<i32>} : memref<8192xi32, #tpu.memory_space<vmem>>, vector<16xi32>,
    %broadcast_in_dim3A_1036 = arith.constant true
    %broadcast_in_dim3A_1037 = vector.broadcast %broadcast_in_dim3A_1036 : i1 to vector<16xi1>
    %masked_cumsum3A_1038 = tpu.scan <sum>, %get3A_1035 masked %broadcast_in_dim3A_1037 : vector<16xi32>, vector<16xi1> -> vector<16xi32>
    %add3A_1039 = vector.broadcast %add3A_1027 : i32 to vector<16xi32>
    %add3A_1040 = arith.addi %masked_cumsum3A_1038, %add3A_1039 : vector<16xi32>
    %reduce_sum3A_1041 = arith.constant true
    %reduce_sum3A_1042 = vector.broadcast %reduce_sum3A_1041 : i1 to vector<16xi1>
    %reduce_sum3A_1043 = tpu.scan <sum>, %get3A_1035 masked %reduce_sum3A_1042 : vector<16xi32>, vector<16xi1> -> vector<16xi32>
    %reduce_sum3A_1044 = vector.extract %reduce_sum3A_1043[15] : i32 from vector<16xi32>
    %add3A_1045 = arith.addi %add3A_1027, %reduce_sum3A_1044 : i32
    %mul3A_1046 = arith.muli %add3A_1040, %get3A_1035 : vector<16xi32>
    %convert_element_type3A_1047 = arith.sitofp %mul3A_1046 : vector<16xi32> to vector<16xf32>
    %swap3A_1048 = arith.constant 880 : index
    %swap3A_1049 = tpu.vector_load %arg5[%swap3A_1048] {strides = array<i32>} : memref<1024xf32, #tpu.memory_space<vmem>>, vector<16xf32>,
    tpu.vector_store %arg5[%swap3A_1048], %convert_element_type3A_1047 {strides = array<i32>} : memref<1024xf32, #tpu.memory_space<vmem>>, vector<16xf32>,
    %add3A_1050 = arith.constant 896 : i32
    %add3A_1051 = arith.addi %mul3A_34, %add3A_1050 : i32
    %get3A_1052 = arith.index_cast %add3A_1051 : i32 to index
    %get3A_1053 = tpu.vector_load %arg4[%get3A_1052] {strides = array<i32>} : memref<8192xi32, #tpu.memory_space<vmem>>, vector<16xi32>,
    %broadcast_in_dim3A_1054 = arith.constant true
    %broadcast_in_dim3A_1055 = vector.broadcast %broadcast_in_dim3A_1054 : i1 to vector<16xi1>
    %masked_cumsum3A_1056 = tpu.scan <sum>, %get3A_1053 masked %broadcast_in_dim3A_1055 : vector<16xi32>, vector<16xi1> -> vector<16xi32>
    %add3A_1057 = vector.broadcast %add3A_1045 : i32 to vector<16xi32>
    %add3A_1058 = arith.addi %masked_cumsum3A_1056, %add3A_1057 : vector<16xi32>
    %reduce_sum3A_1059 = arith.constant true
    %reduce_sum3A_1060 = vector.broadcast %reduce_sum3A_1059 : i1 to vector<16xi1>
    %reduce_sum3A_1061 = tpu.scan <sum>, %get3A_1053 masked %reduce_sum3A_1060 : vector<16xi32>, vector<16xi1> -> vector<16xi32>
    %reduce_sum3A_1062 = vector.extract %reduce_sum3A_1061[15] : i32 from vector<16xi32>
    %add3A_1063 = arith.addi %add3A_1045, %reduce_sum3A_1062 : i32
    %mul3A_1064 = arith.muli %add3A_1058, %get3A_1053 : vector<16xi32>
    %convert_element_type3A_1065 = arith.sitofp %mul3A_1064 : vector<16xi32> to vector<16xf32>
    %swap3A_1066 = arith.constant 896 : index
    %swap3A_1067 = tpu.vector_load %arg5[%swap3A_1066] {strides = array<i32>} : memref<1024xf32, #tpu.memory_space<vmem>>, vector<16xf32>,
    tpu.vector_store %arg5[%swap3A_1066], %convert_element_type3A_1065 {strides = array<i32>} : memref<1024xf32, #tpu.memory_space<vmem>>, vector<16xf32>,
    %add3A_1068 = arith.constant 912 : i32
    %add3A_1069 = arith.addi %mul3A_34, %add3A_1068 : i32
    %get3A_1070 = arith.index_cast %add3A_1069 : i32 to index
    %get3A_1071 = tpu.vector_load %arg4[%get3A_1070] {strides = array<i32>} : memref<8192xi32, #tpu.memory_space<vmem>>, vector<16xi32>,
    %broadcast_in_dim3A_1072 = arith.constant true
    %broadcast_in_dim3A_1073 = vector.broadcast %broadcast_in_dim3A_1072 : i1 to vector<16xi1>
    %masked_cumsum3A_1074 = tpu.scan <sum>, %get3A_1071 masked %broadcast_in_dim3A_1073 : vector<16xi32>, vector<16xi1> -> vector<16xi32>
    %add3A_1075 = vector.broadcast %add3A_1063 : i32 to vector<16xi32>
    %add3A_1076 = arith.addi %masked_cumsum3A_1074, %add3A_1075 : vector<16xi32>
    %reduce_sum3A_1077 = arith.constant true
    %reduce_sum3A_1078 = vector.broadcast %reduce_sum3A_1077 : i1 to vector<16xi1>
    %reduce_sum3A_1079 = tpu.scan <sum>, %get3A_1071 masked %reduce_sum3A_1078 : vector<16xi32>, vector<16xi1> -> vector<16xi32>
    %reduce_sum3A_1080 = vector.extract %reduce_sum3A_1079[15] : i32 from vector<16xi32>
    %add3A_1081 = arith.addi %add3A_1063, %reduce_sum3A_1080 : i32
    %mul3A_1082 = arith.muli %add3A_1076, %get3A_1071 : vector<16xi32>
    %convert_element_type3A_1083 = arith.sitofp %mul3A_1082 : vector<16xi32> to vector<16xf32>
    %swap3A_1084 = arith.constant 912 : index
    %swap3A_1085 = tpu.vector_load %arg5[%swap3A_1084] {strides = array<i32>} : memref<1024xf32, #tpu.memory_space<vmem>>, vector<16xf32>,
    tpu.vector_store %arg5[%swap3A_1084], %convert_element_type3A_1083 {strides = array<i32>} : memref<1024xf32, #tpu.memory_space<vmem>>, vector<16xf32>,
    %add3A_1086 = arith.constant 928 : i32
    %add3A_1087 = arith.addi %mul3A_34, %add3A_1086 : i32
    %get3A_1088 = arith.index_cast %add3A_1087 : i32 to index
    %get3A_1089 = tpu.vector_load %arg4[%get3A_1088] {strides = array<i32>} : memref<8192xi32, #tpu.memory_space<vmem>>, vector<16xi32>,
    %broadcast_in_dim3A_1090 = arith.constant true
    %broadcast_in_dim3A_1091 = vector.broadcast %broadcast_in_dim3A_1090 : i1 to vector<16xi1>
    %masked_cumsum3A_1092 = tpu.scan <sum>, %get3A_1089 masked %broadcast_in_dim3A_1091 : vector<16xi32>, vector<16xi1> -> vector<16xi32>
    %add3A_1093 = vector.broadcast %add3A_1081 : i32 to vector<16xi32>
    %add3A_1094 = arith.addi %masked_cumsum3A_1092, %add3A_1093 : vector<16xi32>
    %reduce_sum3A_1095 = arith.constant true
    %reduce_sum3A_1096 = vector.broadcast %reduce_sum3A_1095 : i1 to vector<16xi1>
    %reduce_sum3A_1097 = tpu.scan <sum>, %get3A_1089 masked %reduce_sum3A_1096 : vector<16xi32>, vector<16xi1> -> vector<16xi32>
    %reduce_sum3A_1098 = vector.extract %reduce_sum3A_1097[15] : i32 from vector<16xi32>
    %add3A_1099 = arith.addi %add3A_1081, %reduce_sum3A_1098 : i32
    %mul3A_1100 = arith.muli %add3A_1094, %get3A_1089 : vector<16xi32>
    %convert_element_type3A_1101 = arith.sitofp %mul3A_1100 : vector<16xi32> to vector<16xf32>
    %swap3A_1102 = arith.constant 928 : index
    %swap3A_1103 = tpu.vector_load %arg5[%swap3A_1102] {strides = array<i32>} : memref<1024xf32, #tpu.memory_space<vmem>>, vector<16xf32>,
    tpu.vector_store %arg5[%swap3A_1102], %convert_element_type3A_1101 {strides = array<i32>} : memref<1024xf32, #tpu.memory_space<vmem>>, vector<16xf32>,
    %add3A_1104 = arith.constant 944 : i32
    %add3A_1105 = arith.addi %mul3A_34, %add3A_1104 : i32
    %get3A_1106 = arith.index_cast %add3A_1105 : i32 to index
    %get3A_1107 = tpu.vector_load %arg4[%get3A_1106] {strides = array<i32>} : memref<8192xi32, #tpu.memory_space<vmem>>, vector<16xi32>,
    %broadcast_in_dim3A_1108 = arith.constant true
    %broadcast_in_dim3A_1109 = vector.broadcast %broadcast_in_dim3A_1108 : i1 to vector<16xi1>
    %masked_cumsum3A_1110 = tpu.scan <sum>, %get3A_1107 masked %broadcast_in_dim3A_1109 : vector<16xi32>, vector<16xi1> -> vector<16xi32>
    %add3A_1111 = vector.broadcast %add3A_1099 : i32 to vector<16xi32>
    %add3A_1112 = arith.addi %masked_cumsum3A_1110, %add3A_1111 : vector<16xi32>
    %reduce_sum3A_1113 = arith.constant true
    %reduce_sum3A_1114 = vector.broadcast %reduce_sum3A_1113 : i1 to vector<16xi1>
    %reduce_sum3A_1115 = tpu.scan <sum>, %get3A_1107 masked %reduce_sum3A_1114 : vector<16xi32>, vector<16xi1> -> vector<16xi32>
    %reduce_sum3A_1116 = vector.extract %reduce_sum3A_1115[15] : i32 from vector<16xi32>
    %add3A_1117 = arith.addi %add3A_1099, %reduce_sum3A_1116 : i32
    %mul3A_1118 = arith.muli %add3A_1112, %get3A_1107 : vector<16xi32>
    %convert_element_type3A_1119 = arith.sitofp %mul3A_1118 : vector<16xi32> to vector<16xf32>
    %swap3A_1120 = arith.constant 944 : index
    %swap3A_1121 = tpu.vector_load %arg5[%swap3A_1120] {strides = array<i32>} : memref<1024xf32, #tpu.memory_space<vmem>>, vector<16xf32>,
    tpu.vector_store %arg5[%swap3A_1120], %convert_element_type3A_1119 {strides = array<i32>} : memref<1024xf32, #tpu.memory_space<vmem>>, vector<16xf32>,
    %add3A_1122 = arith.constant 960 : i32
    %add3A_1123 = arith.addi %mul3A_34, %add3A_1122 : i32
    %get3A_1124 = arith.index_cast %add3A_1123 : i32 to index
    %get3A_1125 = tpu.vector_load %arg4[%get3A_1124] {strides = array<i32>} : memref<8192xi32, #tpu.memory_space<vmem>>, vector<16xi32>,
    %broadcast_in_dim3A_1126 = arith.constant true
    %broadcast_in_dim3A_1127 = vector.broadcast %broadcast_in_dim3A_1126 : i1 to vector<16xi1>
    %masked_cumsum3A_1128 = tpu.scan <sum>, %get3A_1125 masked %broadcast_in_dim3A_1127 : vector<16xi32>, vector<16xi1> -> vector<16xi32>
    %add3A_1129 = vector.broadcast %add3A_1117 : i32 to vector<16xi32>
    %add3A_1130 = arith.addi %masked_cumsum3A_1128, %add3A_1129 : vector<16xi32>
    %reduce_sum3A_1131 = arith.constant true
    %reduce_sum3A_1132 = vector.broadcast %reduce_sum3A_1131 : i1 to vector<16xi1>
    %reduce_sum3A_1133 = tpu.scan <sum>, %get3A_1125 masked %reduce_sum3A_1132 : vector<16xi32>, vector<16xi1> -> vector<16xi32>
    %reduce_sum3A_1134 = vector.extract %reduce_sum3A_1133[15] : i32 from vector<16xi32>
    %add3A_1135 = arith.addi %add3A_1117, %reduce_sum3A_1134 : i32
    %mul3A_1136 = arith.muli %add3A_1130, %get3A_1125 : vector<16xi32>
    %convert_element_type3A_1137 = arith.sitofp %mul3A_1136 : vector<16xi32> to vector<16xf32>
    %swap3A_1138 = arith.constant 960 : index
    %swap3A_1139 = tpu.vector_load %arg5[%swap3A_1138] {strides = array<i32>} : memref<1024xf32, #tpu.memory_space<vmem>>, vector<16xf32>,
    tpu.vector_store %arg5[%swap3A_1138], %convert_element_type3A_1137 {strides = array<i32>} : memref<1024xf32, #tpu.memory_space<vmem>>, vector<16xf32>,
    %add3A_1140 = arith.constant 976 : i32
    %add3A_1141 = arith.addi %mul3A_34, %add3A_1140 : i32
    %get3A_1142 = arith.index_cast %add3A_1141 : i32 to index
    %get3A_1143 = tpu.vector_load %arg4[%get3A_1142] {strides = array<i32>} : memref<8192xi32, #tpu.memory_space<vmem>>, vector<16xi32>,
    %broadcast_in_dim3A_1144 = arith.constant true
    %broadcast_in_dim3A_1145 = vector.broadcast %broadcast_in_dim3A_1144 : i1 to vector<16xi1>
    %masked_cumsum3A_1146 = tpu.scan <sum>, %get3A_1143 masked %broadcast_in_dim3A_1145 : vector<16xi32>, vector<16xi1> -> vector<16xi32>
    %add3A_1147 = vector.broadcast %add3A_1135 : i32 to vector<16xi32>
    %add3A_1148 = arith.addi %masked_cumsum3A_1146, %add3A_1147 : vector<16xi32>
    %reduce_sum3A_1149 = arith.constant true
    %reduce_sum3A_1150 = vector.broadcast %reduce_sum3A_1149 : i1 to vector<16xi1>
    %reduce_sum3A_1151 = tpu.scan <sum>, %get3A_1143 masked %reduce_sum3A_1150 : vector<16xi32>, vector<16xi1> -> vector<16xi32>
    %reduce_sum3A_1152 = vector.extract %reduce_sum3A_1151[15] : i32 from vector<16xi32>
    %add3A_1153 = arith.addi %add3A_1135, %reduce_sum3A_1152 : i32
    %mul3A_1154 = arith.muli %add3A_1148, %get3A_1143 : vector<16xi32>
    %convert_element_type3A_1155 = arith.sitofp %mul3A_1154 : vector<16xi32> to vector<16xf32>
    %swap3A_1156 = arith.constant 976 : index
    %swap3A_1157 = tpu.vector_load %arg5[%swap3A_1156] {strides = array<i32>} : memref<1024xf32, #tpu.memory_space<vmem>>, vector<16xf32>,
    tpu.vector_store %arg5[%swap3A_1156], %convert_element_type3A_1155 {strides = array<i32>} : memref<1024xf32, #tpu.memory_space<vmem>>, vector<16xf32>,
    %add3A_1158 = arith.constant 992 : i32
    %add3A_1159 = arith.addi %mul3A_34, %add3A_1158 : i32
    %get3A_1160 = arith.index_cast %add3A_1159 : i32 to index
    %get3A_1161 = tpu.vector_load %arg4[%get3A_1160] {strides = array<i32>} : memref<8192xi32, #tpu.memory_space<vmem>>, vector<16xi32>,
    %broadcast_in_dim3A_1162 = arith.constant true
    %broadcast_in_dim3A_1163 = vector.broadcast %broadcast_in_dim3A_1162 : i1 to vector<16xi1>
    %masked_cumsum3A_1164 = tpu.scan <sum>, %get3A_1161 masked %broadcast_in_dim3A_1163 : vector<16xi32>, vector<16xi1> -> vector<16xi32>
    %add3A_1165 = vector.broadcast %add3A_1153 : i32 to vector<16xi32>
    %add3A_1166 = arith.addi %masked_cumsum3A_1164, %add3A_1165 : vector<16xi32>
    %reduce_sum3A_1167 = arith.constant true
    %reduce_sum3A_1168 = vector.broadcast %reduce_sum3A_1167 : i1 to vector<16xi1>
    %reduce_sum3A_1169 = tpu.scan <sum>, %get3A_1161 masked %reduce_sum3A_1168 : vector<16xi32>, vector<16xi1> -> vector<16xi32>
    %reduce_sum3A_1170 = vector.extract %reduce_sum3A_1169[15] : i32 from vector<16xi32>
    %add3A_1171 = arith.addi %add3A_1153, %reduce_sum3A_1170 : i32
    %mul3A_1172 = arith.muli %add3A_1166, %get3A_1161 : vector<16xi32>
    %convert_element_type3A_1173 = arith.sitofp %mul3A_1172 : vector<16xi32> to vector<16xf32>
    %swap3A_1174 = arith.constant 992 : index
    %swap3A_1175 = tpu.vector_load %arg5[%swap3A_1174] {strides = array<i32>} : memref<1024xf32, #tpu.memory_space<vmem>>, vector<16xf32>,
    tpu.vector_store %arg5[%swap3A_1174], %convert_element_type3A_1173 {strides = array<i32>} : memref<1024xf32, #tpu.memory_space<vmem>>, vector<16xf32>,
    %add3A_1176 = arith.constant 1008 : i32
    %add3A_1177 = arith.addi %mul3A_34, %add3A_1176 : i32
    %get3A_1178 = arith.index_cast %add3A_1177 : i32 to index
    %get3A_1179 = tpu.vector_load %arg4[%get3A_1178] {strides = array<i32>} : memref<8192xi32, #tpu.memory_space<vmem>>, vector<16xi32>,
    %broadcast_in_dim3A_1180 = arith.constant true
    %broadcast_in_dim3A_1181 = vector.broadcast %broadcast_in_dim3A_1180 : i1 to vector<16xi1>
    %masked_cumsum3A_1182 = tpu.scan <sum>, %get3A_1179 masked %broadcast_in_dim3A_1181 : vector<16xi32>, vector<16xi1> -> vector<16xi32>
    %add3A_1183 = vector.broadcast %add3A_1171 : i32 to vector<16xi32>
    %add3A_1184 = arith.addi %masked_cumsum3A_1182, %add3A_1183 : vector<16xi32>
    %reduce_sum3A_1185 = arith.constant true
    %reduce_sum3A_1186 = vector.broadcast %reduce_sum3A_1185 : i1 to vector<16xi1>
    %reduce_sum3A_1187 = tpu.scan <sum>, %get3A_1179 masked %reduce_sum3A_1186 : vector<16xi32>, vector<16xi1> -> vector<16xi32>
    %reduce_sum3A_1188 = vector.extract %reduce_sum3A_1187[15] : i32 from vector<16xi32>
    %add3A_1189 = arith.addi %add3A_1171, %reduce_sum3A_1188 : i32
    %mul3A_1190 = arith.muli %add3A_1184, %get3A_1179 : vector<16xi32>
    %convert_element_type3A_1191 = arith.sitofp %mul3A_1190 : vector<16xi32> to vector<16xf32>
    %swap3A_1192 = arith.constant 1008 : index
    %swap3A_1193 = tpu.vector_load %arg5[%swap3A_1192] {strides = array<i32>} : memref<1024xf32, #tpu.memory_space<vmem>>, vector<16xf32>,
    tpu.vector_store %arg5[%swap3A_1192], %convert_element_type3A_1191 {strides = array<i32>} : memref<1024xf32, #tpu.memory_space<vmem>>, vector<16xf32>,
    %add3A_1194 = arith.addi %mul3A_32, %mul3A_34 : i32
    %dma_start3A = tpu.memref_slice %arg3[%add3A_1194] : memref<32768xf32, #tpu.memory_space<hbm>> -> memref<1024xf32, #tpu.memory_space<hbm>>
    %dma_start3A_1195 = tpu.memref_slice %arg3[%add3A_1194] : memref<32768xf32, #tpu.memory_space<hbm>> -> memref<1024xf32, #tpu.memory_space<hbm>>
    tpu.enqueue_dma source(%arg5 : memref<1024xf32, #tpu.memory_space<vmem>>) target(%dma_start3A_1195 : memref<1024xf32, #tpu.memory_space<hbm>>) target_semaphore(%arg6 : memref<!tpu.dma_semaphore, #tpu.memory_space<semaphore_mem>>)
    %dma_wait3A = tpu.memref_slice %arg3[%add3A_1194] : memref<32768xf32, #tpu.memory_space<hbm>> -> memref<1024xf32, #tpu.memory_space<hbm>>
    %dma_wait3A_1196 = tpu.memref_slice %arg3[%add3A_1194] : memref<32768xf32, #tpu.memory_space<hbm>> -> memref<1024xf32, #tpu.memory_space<hbm>>
    tpu.wait_dma2 semaphore(%arg6 : memref<!tpu.dma_semaphore, #tpu.memory_space<semaphore_mem>>) src(%arg5 : memref<1024xf32, #tpu.memory_space<vmem>>) dst(%dma_wait3A_1196 : memref<1024xf32, #tpu.memory_space<hbm>>)
    return
  }
}

module attributes {stable_mosaic.version = 14 : i64} {
  func.func @_tc_body(%arg0: i32, %arg1: i32, %arg2: memref<1x512x1xf32, #tpu.memory_space<vmem>>, %arg3: memref<1x512xf32, #tpu.memory_space<vmem>>, %arg4: memref<1x512x1024xf32, #tpu.memory_space<vmem>>) attributes {dimension_semantics = [#tpu.dimension_semantics<arbitrary>, #tpu.dimension_semantics<arbitrary>], iteration_bounds = array<i64: 4, 16>, scalar_prefetch = 0 : i64, scratch_operands = 0 : i64, tpu.core_type = #tpu.core_type<tc>, window_params = [{transform_indices = @transform_0, window_bounds = array<i64: 1, 512, 1>}, {pipeline_mode = #tpu.pipeline_mode<synchronous>, transform_indices = @transform_1, window_bounds = array<i64: 1, 512>}, {transform_indices = @transform_2, window_bounds = array<i64: 1, 512, 1024>}]} {
    %get3A = arith.constant 0 : index
    %get3A_0 = arith.constant 0 : index
    %get3A_1 = arith.constant 0 : index
    %get3A_2 = vector.load %arg2[%get3A, %get3A_0, %get3A_1] : memref<1x512x1xf32, #tpu.memory_space<vmem>>, vector<1x512x1xf32>
    %get3A_3 = vector.shape_cast %get3A_2 : vector<1x512x1xf32> to vector<512x1xf32>
    %gt3A = arith.constant 0.000000e+00 : f32
    %gt3A_4 = vector.broadcast %gt3A : f32 to vector<512x1xf32>
    %gt3A_5 = arith.cmpf ogt, %get3A_3, %gt3A_4 : vector<512x1xf32>
    %convert_element_type3A = arith.extui %gt3A_5 : vector<512x1xi1> to vector<512x1xi32>
    %convert_element_type3A_6 = arith.sitofp %convert_element_type3A : vector<512x1xi32> to vector<512x1xf32>
    %get3A_7 = arith.constant 0 : index
    %get3A_8 = arith.constant 0 : index
    %get3A_9 = vector.load %arg3[%get3A_7, %get3A_8] : memref<1x512xf32, #tpu.memory_space<vmem>>, vector<1x512xf32>
    %mul3A = vector.broadcast %get3A_3 : vector<512x1xf32> to vector<512x512xf32>
    %mul3A_10 = vector.broadcast %get3A_9 : vector<1x512xf32> to vector<512x512xf32>
    %mul3A_11 = arith.mulf %mul3A, %mul3A_10 : vector<512x512xf32>
    %mul3A_12 = arith.constant 0.318309873 : f32
    %mul3A_13 = vector.broadcast %mul3A_12 : f32 to vector<512x512xf32>
    %mul3A_14 = arith.mulf %mul3A_11, %mul3A_13 : vector<512x512xf32>
    %add3A = arith.constant 0x4B400000 : f32
    %add3A_15 = vector.broadcast %add3A : f32 to vector<512x512xf32>
    %add3A_16 = arith.addf %mul3A_14, %add3A_15 : vector<512x512xf32>
    %sub3A = arith.constant 0x4B400000 : f32
    %sub3A_17 = vector.broadcast %sub3A : f32 to vector<512x512xf32>
    %sub3A_18 = arith.subf %add3A_16, %sub3A_17 : vector<512x512xf32>
    %bitcast_convert_type3A = tpu.bitcast %add3A_16 : vector<512x512xf32> -> vector<512x512xi32>
    %and3A = arith.constant 1 : i32
    %and3A_19 = vector.broadcast %and3A : i32 to vector<512x512xi32>
    %and3A_20 = arith.andi %bitcast_convert_type3A, %and3A_19 : vector<512x512xi32>
    %mul3A_21 = arith.constant 3.140625 : f32
    %mul3A_22 = vector.broadcast %mul3A_21 : f32 to vector<512x512xf32>
    %mul3A_23 = arith.mulf %sub3A_18, %mul3A_22 : vector<512x512xf32>
    %sub3A_24 = arith.subf %mul3A_11, %mul3A_23 : vector<512x512xf32>
    %mul3A_25 = arith.constant 9.67502593E-4 : f32
    %mul3A_26 = vector.broadcast %mul3A_25 : f32 to vector<512x512xf32>
    %mul3A_27 = arith.mulf %sub3A_18, %mul3A_26 : vector<512x512xf32>
    %sub3A_28 = arith.subf %sub3A_24, %mul3A_27 : vector<512x512xf32>
    %mul3A_29 = arith.mulf %sub3A_28, %sub3A_28 : vector<512x512xf32>
    %mul3A_30 = arith.constant 0.00768178701 : f32
    %mul3A_31 = vector.broadcast %mul3A_30 : f32 to vector<512x512xf32>
    %mul3A_32 = arith.mulf %mul3A_29, %mul3A_31 : vector<512x512xf32>
    %add3A_33 = arith.constant -0.166130632 : f32
    %add3A_34 = vector.broadcast %add3A_33 : f32 to vector<512x512xf32>
    %add3A_35 = arith.addf %add3A_34, %mul3A_32 : vector<512x512xf32>
    %mul3A_36 = arith.mulf %mul3A_29, %add3A_35 : vector<512x512xf32>
    %add3A_37 = arith.constant 0.99993664 : f32
    %add3A_38 = vector.broadcast %add3A_37 : f32 to vector<512x512xf32>
    %add3A_39 = arith.addf %add3A_38, %mul3A_36 : vector<512x512xf32>
    %mul3A_40 = arith.mulf %sub3A_28, %add3A_39 : vector<512x512xf32>
    %mul3A_41 = arith.constant -0.00127733347 : f32
    %mul3A_42 = vector.broadcast %mul3A_41 : f32 to vector<512x512xf32>
    %mul3A_43 = arith.mulf %mul3A_29, %mul3A_42 : vector<512x512xf32>
    %add3A_44 = arith.constant 0.0415077843 : f32
    %add3A_45 = vector.broadcast %add3A_44 : f32 to vector<512x512xf32>
    %add3A_46 = arith.addf %add3A_45, %mul3A_43 : vector<512x512xf32>
    %mul3A_47 = arith.mulf %mul3A_29, %add3A_46 : vector<512x512xf32>
    %add3A_48 = arith.constant -0.499928236 : f32
    %add3A_49 = vector.broadcast %add3A_48 : f32 to vector<512x512xf32>
    %add3A_50 = arith.addf %add3A_49, %mul3A_47 : vector<512x512xf32>
    %mul3A_51 = arith.mulf %mul3A_29, %add3A_50 : vector<512x512xf32>
    %add3A_52 = arith.constant 0.999995052 : f32
    %add3A_53 = vector.broadcast %add3A_52 : f32 to vector<512x512xf32>
    %add3A_54 = arith.addf %add3A_53, %mul3A_51 : vector<512x512xf32>
    %convert_element_type3A_55 = arith.sitofp %and3A_20 : vector<512x512xi32> to vector<512x512xf32>
    %mul3A_56 = arith.constant 2.000000e+00 : f32
    %mul3A_57 = vector.broadcast %mul3A_56 : f32 to vector<512x512xf32>
    %mul3A_58 = arith.mulf %mul3A_57, %convert_element_type3A_55 : vector<512x512xf32>
    %sub3A_59 = arith.constant 1.000000e+00 : f32
    %sub3A_60 = vector.broadcast %sub3A_59 : f32 to vector<512x512xf32>
    %sub3A_61 = arith.subf %sub3A_60, %mul3A_58 : vector<512x512xf32>
    %mul3A_62 = vector.broadcast %convert_element_type3A_6 : vector<512x1xf32> to vector<512x512xf32>
    %mul3A_63 = arith.mulf %sub3A_61, %mul3A_62 : vector<512x512xf32>
    %mul3A_64 = arith.mulf %mul3A_40, %mul3A_63 : vector<512x512xf32>
    %swap3A = arith.constant 0 : index
    %swap3A_65 = arith.constant 0 : index
    %swap3A_66 = arith.constant 0 : index
    %swap3A_67 = vector.load %arg4[%swap3A, %swap3A_65, %swap3A_66] : memref<1x512x1024xf32, #tpu.memory_space<vmem>>, vector<1x512x512xf32>
    %swap3A_68 = vector.shape_cast %swap3A_67 : vector<1x512x512xf32> to vector<512x512xf32>
    %swap3A_69 = vector.shape_cast %mul3A_64 : vector<512x512xf32> to vector<1x512x512xf32>
    tpu.vector_store %arg4[%swap3A, %swap3A_65, %swap3A_66], %swap3A_69 {strides = array<i32>} : memref<1x512x1024xf32, #tpu.memory_space<vmem>>, vector<1x512x512xf32>,
    %mul3A_70 = arith.mulf %add3A_54, %mul3A_63 : vector<512x512xf32>
    %swap3A_71 = arith.constant 0 : index
    %swap3A_72 = arith.constant 0 : index
    %swap3A_73 = arith.constant 512 : index
    %swap3A_74 = vector.load %arg4[%swap3A_71, %swap3A_72, %swap3A_73] : memref<1x512x1024xf32, #tpu.memory_space<vmem>>, vector<1x512x512xf32>
    %swap3A_75 = vector.shape_cast %swap3A_74 : vector<1x512x512xf32> to vector<512x512xf32>
    %swap3A_76 = vector.shape_cast %mul3A_70 : vector<512x512xf32> to vector<1x512x512xf32>
    tpu.vector_store %arg4[%swap3A_71, %swap3A_72, %swap3A_73], %swap3A_76 {strides = array<i32>} : memref<1x512x1024xf32, #tpu.memory_space<vmem>>, vector<1x512x512xf32>,
    return
  }
  func.func @transform_0(%arg0: i32, %arg1: i32) -> (i32, i32, i32) {
    %c0_i32 = arith.constant 0 : i32
    %c0_i32_0 = arith.constant 0 : i32
    return %arg0, %arg1, %c0_i32 : i32, i32, i32
  }
  func.func @transform_1(%arg0: i32, %arg1: i32) -> (i32, i32) {
    %c0_i32 = arith.constant 0 : i32
    %c0_i32_0 = arith.constant 0 : i32
    %c0_i32_1 = arith.constant 0 : i32
    return %c0_i32, %c0_i32_0 : i32, i32
  }
  func.func @transform_2(%arg0: i32, %arg1: i32) -> (i32, i32, i32) {
    %c0_i32 = arith.constant 0 : i32
    %c0_i32_0 = arith.constant 0 : i32
    return %arg0, %arg1, %c0_i32 : i32, i32, i32
  }
}

</mosaic_0001>

<sc_bundles>
// kernel: kernel.4.cloned.1.call-start
scs
__scs_entry_jumppad:
0x0: {  	(pc) =	sbr.rel $0x88, $3  }
0x1: {  	(tag) =	ssettag $0x0;
	lr =	simm.s32 $0x1  }
0x2: {  	[smem:$0x3FA0] =	sst lr;
	_ =	strace $0xD0000000  }
0x3: {  	_ = 	snop  }
0x4: {  	_ = 	snop  }
0x5: {  	_ = 	snop  }
0x6: {  	_ = 	snop  }
0x7: {  	_ = 	snop  }
__scs_overlays_trampoline_lowered:
0x8: {  	[smem:$0x3FAF] =	sst s0  }
0x9: {  	[smem:$0x3FB0] =	sst s1  }
0xa: {  	[smem:$0x3FB1] =	sst s2  }
0xb: {  	[smem:$0x3FB2] =	sst s3  }
0xc: {  	[smem:$0x3FB3] =	sst s4  }
0xd: {  	[smem:$0x3FB4] =	sst s5  }
0xe: {  	[smem:$0x3FB5] =	sst s6  }
0xf: {  	[smem:$0x3FB6] =	sst s7  }
0x10: {  	[smem:$0x3FB7] =	sst s8  }
0x11: {  	[smem:$0x3FB8] =	sst s9;
	s0 =	simm.s32 @!p0 $0x0  }
0x12: {  	s1 =	sld [smem:$0x3F9E];
	s0 =	simm.s32 @p0 $0x1  }
0x13: {  	[smem:$0x3FB9] =	sst s0;
	s0 =	simm.s32 @!p1 $0x0  }
0x14: {  	s2 =	sld [smem:$0x3F9D];
	s0 =	simm.s32 @p1 $0x1  }
0x15: {  	[smem:$0x3FBA] =	sst s0;
	s0 =	simm.s32 @!p2 $0x0  }
0x16: {  	s3 =	sld [smem:$0x3FDB];
	s0 =	simm.s32 @p2 $0x1  }
0x17: {  	s4 =	simm.s32 $0x1BF5;
	[smem:$0x3FBC] =	sst s0  }
0x18: {  	s0 =	sld [smem:$0x3F9F];
	_ =	swait.ge [sflag:s4], $0x0  }
0x19: {  	s7 =	sld [smem:$0x3FA0]  }
0x1a: {  	s8 =	sadd.s32 $0xFFFFE003, lr  }
0x1b: {  	s9 =	sadd.s32 $0xFFFFFEF7, lr;
	s5 =	simm.s32 $0xFFFFFFFF;
	p2 =	slt.u32 s8, $0xFFFFF086  }
0x1c: {  	p1 =	slt.u32 s9, $0xF7A;
	s5 =	simm.s32 @!p2 $0x0  }
0x1d: {  	s5 =	simm.s32 @p1 $0x1;
	p0 =	seq.s32 s7, s2  }
0x1e: {  	s7 =	smul.u32 @!p0 $0xF7A, s2;
	p2 =	seq.s32 @!p0 s5, $0x0  }
0x1f: {  	s9 =	smul.u32 $0xF7A, s1;
	s8 =	simm.s32 @!p0 $0x1BF5;
	p2 =	por !p2, p0  }
0x20: {  	[sflag:s8] =	ssyncset.s32 @!p0 $0xFFFFF086;
	s6 =	sadd.s32 @!p0 s3, s7;
	s7 =	simm.s32 @!p0 $0x108  }
0x21: {  	s3 =	sadd.s32 s3, s9;
	s6 =	sadd.s32 @!p0 $0x88, s6;
	s7 =	simm.s32 @p2 $0x1082  }
0x22: {  	[simem:s7], [sflag:s8] =	dma.local @!p0 [hbm:s6], $0xF7A  }
0x23: {  	s9 =	sor.u32 $0xD0000000, s2;
	s6 =	simm.s32 $0x108;
	_ =	swait.ge @!p0 [sflag:s8], $0x0  }
0x24: {  	s3 =	sadd.s32 $0x88, s3;
	s6 =	simm.s32 @!p1 $0x1082;
	[sflag:s4] =	ssyncset.s32 $0xFFFFF086  }
0x25: {  	[simem:s6], [sflag:s4] =	dma.local [hbm:s3], $0xF7A  }
0x26: {  	[smem:$0x3FA0] =	sst s1;
	(tag) =	ssettag s2;
	_ =	strace s9  }
0x27: {  	s1 =	sld [smem:$0x3FB0]  }
0x28: {  	s2 =	sld [smem:$0x3FB1]  }
0x29: {  	s4 =	sld [smem:$0x3FB3]  }
0x2a: {  	p0 =	seq.s32 s5, $0x0;
	s5 =	sld [smem:$0x3FB4]  }
0x2b: {  	s6 =	sld [smem:$0x3FB5]  }
0x2c: {  	s7 =	sld [smem:$0x3FB6]  }
0x2d: {  	s3 =	simm.s32 $0x108;
	s8 =	sld [smem:$0x3FB7]  }
0x2e: {  	s3 =	simm.s32 @!p0 $0x1082;
	s9 =	sld [smem:$0x3FB8]  }
0x2f: {  	lr =	sadd.s32 s0, s3;
	s0 =	sld [smem:$0x3FAF]  }
0x30: {  	s3 =	sld [smem:$0x3FB2]  }
0x31: {  	[smem:$0x3FBB] =	sst s10  }
0x32: {  	s10 =	sld [smem:$0x3FB9];
	_ =	sdelay $0x3  }
0x33: {  	p0 =	seq.s32 s10, $0x1;
	s10 =	sld [smem:$0x3FBB];
	_ =	sdelay $0x3  }
0x34: {  	[smem:$0x3FBB] =	sst s10  }
0x35: {  	s10 =	sld [smem:$0x3FBA];
	_ =	sdelay $0x3  }
0x36: {  	p1 =	seq.s32 s10, $0x1;
	s10 =	sld [smem:$0x3FBB];
	_ =	sdelay $0x3  }
0x37: {  	[smem:$0x3FBB] =	sst s10  }
0x38: {  	s10 =	sld [smem:$0x3FBC]  }
0x39: {  	_ = 	snop;
	(pc) =	sbr.ind lr, $3  }
0x3a: {  	_ = 	snop  }
0x3b: {  	_ = 	snop  }
0x3c: {  	p2 =	seq.s32 s10, $0x1;
	s10 =	sld [smem:$0x3FBB]  }
0x3d: {  	_ =	shalt  }
0x3e: {  	_ =	shalt  }
0x3f: {  	_ =	shalt  }
0x40: {  	_ =	shalt  }
0x41: {  	_ =	shalt  }
0x42: {  	_ =	shalt  }
0x43: {  	_ =	shalt  }
0x44: {  	_ =	shalt  }
0x45: {  	_ =	shalt  }
0x46: {  	_ =	shalt  }
0x47: {  	_ =	shalt  }
0x48: {  	_ =	shalt  }
0x49: {  	_ =	shalt  }
0x4a: {  	_ =	shalt  }
0x4b: {  	_ =	shalt  }
0x4c: {  	_ =	shalt  }
0x4d: {  	_ =	shalt  }
0x4e: {  	_ =	shalt  }
0x4f: {  	_ =	shalt  }
0x50: {  	_ =	shalt  }
0x51: {  	_ =	shalt  }
0x52: {  	_ =	shalt  }
0x53: {  	_ =	shalt  }
0x54: {  	_ =	shalt  }
0x55: {  	_ =	shalt  }
0x56: {  	_ =	shalt  }
0x57: {  	_ =	shalt  }
0x58: {  	_ =	shalt  }
0x59: {  	_ =	shalt  }
0x5a: {  	_ =	shalt  }
0x5b: {  	_ =	shalt  }
0x5c: {  	_ =	shalt  }
0x5d: {  	_ =	shalt  }
0x5e: {  	_ =	shalt  }
0x5f: {  	_ =	shalt  }
0x60: {  	_ =	shalt  }
0x61: {  	_ =	shalt  }
0x62: {  	_ =	shalt  }
0x63: {  	_ =	shalt  }
0x64: {  	_ =	shalt  }
0x65: {  	_ =	shalt  }
0x66: {  	_ =	shalt  }
0x67: {  	_ =	shalt  }
0x68: {  	_ =	shalt  }
0x69: {  	_ =	shalt  }
0x6a: {  	_ =	shalt  }
0x6b: {  	_ =	shalt  }
0x6c: {  	_ =	shalt  }
0x6d: {  	_ =	shalt  }
0x6e: {  	_ =	shalt  }
0x6f: {  	_ =	shalt  }
0x70: {  	_ =	shalt  }
0x71: {  	_ =	shalt  }
0x72: {  	_ =	shalt  }
0x73: {  	_ =	shalt  }
0x74: {  	_ =	shalt  }
0x75: {  	_ =	shalt  }
0x76: {  	_ =	shalt  }
0x77: {  	_ =	shalt  }
0x78: {  	_ =	shalt  }
0x79: {  	_ =	shalt  }
0x7a: {  	_ =	shalt  }
0x7b: {  	_ =	shalt  }
0x7c: {  	_ =	shalt  }
0x7d: {  	_ =	shalt  }
0x7e: {  	_ =	shalt  }
0x7f: {  	_ =	shalt  }
0x80: {  	_ =	shalt  }
0x81: {  	_ =	shalt  }
0x82: {  	_ =	shalt  }
0x83: {  	_ =	shalt  }
0x84: {  	_ =	shalt  }
0x85: {  	_ =	shalt  }
0x86: {  	_ =	shalt  }
0x87: {  	_ =	shalt  }
.Lfunc_end0:
.L_simem_size_0:
called_computation_lowered:
.L_overlay_start_0:
0x88: {  	s2 =	sld [smem:$0x3FD9]  }
0x89: {  	s3 =	sld [smem:$0x3FFE];
	_ =	sdelay $0x1  }
0x8a: {  	s1 =	srdreg.scid  }
0x8b: {  	s0 =	sand.u32 $0x1, s1  }
0x8c: {  	s17 =	sshll.u32 s0, $0xA;
	s2 =	sadd.s32 s3, s2  }
0x8d: {  	s2 =	sadd.s32 s2, s17  }
0x8e: {  	[smem:$0x3FC7] =	sst s2  }
0x8f: {  	_ = 	snop  }
0x90: {  	s2 =	sld [smem:$0x3FD0];
	(tm) =	ssettm $0x1  }
0x91: {  	s18 =	sld [smem:$0x3FFB];
	_ =	sdelay $0x3  }
0x92: {  	_ =	strace s18  }
0x93: {  	s3 =	sld [smem:$0x3FFC];
	_ =	sdelay $0x3  }
0x94: {  	_ =	strace s3  }
0x95: {  	s3 =	sld [smem:$0x3FFD];
	_ =	sdelay $0x3  }
0x96: {  	_ =	strace s3  }
0x97: {  	_ =	strace $0x8FFFFFFF  }
0x98: {  	s19 =	sld [smem:$0x3FDB];
	_ =	sdelay $0x1  }
0x99: {  	s4 =	simm.s32 $_scs_section_size  }
0x9a: {  	s5 =	simm.s32 $_size__tile_overlayer_lowered;
	s6 =	simm.s32 $_tile_overlayer_lowered  }
0x9b: {  	s22 =	simm.s32 $0x1BFF;
	s21 =	sshll.u32 s6, $0x1;
	s3 =	sadd.s32 s4, s19  }
0x9c: {  	s7 =	simm.s32 $0x0;
	s20 =	sshll.u32 s5, $0x1;
	s5 =	sadd.s32 s21, s3  }
0x9d: {  	[timem:s7], [sflag:s22] =	dma.local [hbm:s5], s20  }
0x9e: {  	_ =	swait.ge [sflag:s22], s20  }
0x9f: {  	s4 =	ssub.s32 $0x0, s20;
	[sflag:s22] =	ssyncset.done $0x0  }
0xa0: {  	[sflag:s22] =	ssyncadd.s32 s4;
	_ =	sdelay $0x1  }
0xa1: {  	s23 =	simm.s32 $0x1B8B  }
0xa2: {  	_ =	swait.ge [sflag:s23], $0x1  }
0xa3: {  	[sflag:s23] =	ssyncset.done $0x0  }
0xa4: {  	s25 =	simm.s32 $0x1B8E;
	s24 =	sld [smem:$0x3FFE];
	[sflag:s23] =	ssyncadd.s32 $0xFFFFFFFF  }
0xa5: {  	s26 =	simm.s32 $execute0_lowered;
	[smem:$0x3FD2] =	sst s25  }
0xa6: {  	s5 =	sshll.u32 s26, $0x1;
	_ =	strace $0x80000046;
	[dreg:$0x1] =	wrdreg $0xFFFFFFFF  }
0xa7: {  	s28 =	simm.s32 $_size_execute0_lowered;
	s3 =	sadd.s32 s3, s5;
	[dreg:$0x0] =	wrdreg $0x0  }
0xa8: {  	s5 =	sshll.u32 s28, $0x1;
	[dreg:$0x2] =	wrdreg s3  }
0xa9: {  	[dreg:$0x3] =	wrdreg s5  }
0xaa: {  	[dreg:$0x4] =	wrdreg $0xC0  }
0xab: {  	_ =	task [dreg:s7], $0x5FFFF  }
0xac: {  	[dreg:$0x1] =	wrdreg $0xFFFFFFFF  }
0xad: {  	[dreg:$0x0] =	wrdreg $0x60  }
0xae: {  	[dreg:$0x2] =	wrdreg s2  }
0xaf: {  	[dreg:$0x3] =	wrdreg s24  }
0xb0: {  	[dreg:$0x4] =	wrdreg $0x9  }
0xb1: {  	_ =	task.clear_ibuf [dreg:s7], $0x5FFFF;
	_ =	strace $0x90000046  }
0xb2: {  	s29 =	simm.s32 $0x9;
	_ =	strace $0x80000048  }
0xb3: {  	_ =	swait.ge [sflag:s29], $0x1  }
0xb4: {  	[sflag:s29] =	ssyncadd.s32 $0xFFFFFFFF  }
0xb5: {  	_ =	strace $0x90000048  }
0xb6: {  	_ =	sfence  }
0xb7: {  	s30 =	sld [smem:$0x0];
	_ =	sdelay $0x2  }
0xb8: {  	s31 =	sshll.u32 s1, $0xD;
	s1 =	sshrl.u32 s1, $0x2  }
0xb9: {  	s3 =	sand.u32 $0x4000, s31;
	s1 =	sadd.s32 s1, s30  }
0xba: {  	s0 =	sor.u32 s3, s0;
	s1 =	sshll.u32 s1, $0x11  }
0xbb: {  	s0 =	sor.u32 s1, s0  }
0xbc: {  	s0 =	sadd.s32 $0x8F2B, s0  }
0xbd: {  	[sflag:s0] =	ssyncadd.remote.s32 $0x1  }
0xbe: {  	_ =	sfence.sel $0xFFFF  }
0xbf: {  	[dreg:$0x0] =	wrdreg $0xFFFFFFFF;
	(pc) =	sbr.abs _section_cstart, $3  }
0xc0: {  	[dreg:$0x1] =	wrdreg $0xFFFFFFFF  }
0xc1: {  	_ =	task.clear_ibuf [dreg:s7], $0x2FFFF;
	_ =	strace $0x9FFFFFFF  }
0xc2: {  	(tm) =	ssettm $0x7FFFFFFF  }
0xc3: {  	_ =	shalt  }
tec
execute0_lowered:
.L_overlay_start_1:
0x0: {  	(tag) =	ssettag $0x1  }
0x1: {  	s0 =	stileid.u32  }
0x2: {  	s1 =	srdreg.scid;
	s4 =	rddreg [dreg:$0x0]  }
0x3: {  	s6 =	rddreg [dreg:$0x1];
	s3 =	simm.s32 $0x0;
	s11 =	simm.s32 $0x0  }
0x4: {  	s2 =	sshll.u32 s0, $0x1;
	s5 =	sand.u32 $0x1, s1;
	s1 =	rddreg [dreg:$0x2]  }
0x5: {  	s26 =	sshll.u32 s0, $0xB;
	[smem:$0x7FF] =	sst s3;
	s29 =	sshll.u32 s0, $0x7  }
0x6: {  	s25 =	sand.u32 $0x6, s2;
	s7 =	sand.u32 $0x6000, s26;
	s10 =	ssub.s32 $0x2, s5  }
0x7: {  	_ =	strace $0x80000047;
	s30 =	sand.u32 $0x180, s29;
	s8 =	sor.u32 s5, s25  }
0x8: {  	s31 =	sshll.u32 s5, $0x6;
	s28 =	sshrl.u32 s10, $0x1;
	s2 =	sshll.u32 s8, $0xA  }
.Ltmp0:
0x9: {  	p0 =	seq.s32 s8, $0x0;
	s9 =	sor.u32 s7, s2;
	(pc) =	sbr.rel .LBB2_1-.Ltmp0, $4  }
0xa: {  	s8 =	simm.s32 $0x2;
	s7 =	sshrl.u32 s7, $0x3;
	s9 =	sshrl.u32 s9, $0x3  }
0xb: {  	s4 =	sadd.s32 s4, s7;
	s7 =	sor.u32 s31, s30;
	s6 =	sadd.s32 s9, s6  }
0xc: {  	s9 =	ssub.s32 s10, s28;
	s7 =	smax.u32 s7, $0x1;
	s10 =	simm.s32 $0x1  }
0xd: {  	s5 =	sadd.s32 $0x600, s6;
	s6 =	smax.u32 s9, $0x1;
	s9 =	simm.s32 $0x2000  }
.LBB2_3:
0xe: {  	s12 =	simm.s32 $0x0  }
.LBB2_11:
0xf: {  	(v2sf) =	vpush @p1 v0, $0xF  }
0x10: {  	v63, _, _ =	vpop (xrf0)  }
0x11: {  	(v2sf) =	vpush v63, $0xF;
	_ =	sdelay $0x8  }
0x12: {  	s13 =	spop @p3 (v2sf)  }
0x13: {  	s12 =	sadd.s32 @p3 s12, s13;
	s13 =	simm.s32 $0x0  }
0x14: {  	s13 =	smov.u32 @p3 s12;
	s12 =	spop @p2 (v2sf)  }
0x15: {  	s12 =	sadd.s32 @p2 s13, s12;
	s13 =	simm.s32 $0x0  }
0x16: {  	s13 =	smov.u32 @p2 s12;
	s12 =	spop @p1 (v2sf)  }
0x17: {  	s12 =	sadd.s32 @p1 s13, s12;
	s13 =	simm.s32 $0x0  }
0x18: {  	s31 =	spop (v2sf);
	s13 =	smov.u32 @p1 s12  }
0x19: {  	s12 =	sadd.s32 s13, s31  }
.LBB2_12:
0x1a: {  	v0 =	vld [tilespmem:s2+$0x0];
	_ =	sdelay $0x4  }
0x1b: {  	(xrf0) =	vadd.scan.msk.s32 $0xffff, v0;
	_ =	sdelay $0x5  }
0x1c: {  	v1, _, _ =	vpop (xrf0)  }
0x1d: {  	v2 =	vadd.s32 s12, v1  }
0x1e: {  	(v2sf) =	vpush v1, $0xF;
	v0 =	vmul.u32 v0, v2;
	_ =	sdelay $0x1  }
0x1f: {  	v0 =	vcvt.s32.f32 v0;
	_ =	sdelay $0x1  }
0x20: {  	[tilespmem:$0x2000] =	vst v0  }
0x21: {  	v0 =	vld [tilespmem:s2+$0x10];
	_ =	sdelay $0x4  }
0x22: {  	(xrf0) =	vadd.scan.msk.s32 $0xffff, v0;
	_ =	sdelay $0x4  }
0x23: {  	s13 =	spop (v2sf)  }
0x24: {  	s19 =	sadd.s32 s12, s13;
	v59, _, _ =	vpop (xrf0)  }
0x25: {  	v60 =	vadd.s32 s19, v59  }
0x26: {  	(v2sf) =	vpush v59, $0xF;
	v0 =	vmul.u32 v0, v60;
	_ =	sdelay $0x1  }
0x27: {  	v0 =	vcvt.s32.f32 v0;
	_ =	sdelay $0x1  }
0x28: {  	[tilespmem:$0x2010] =	vst v0  }
0x29: {  	v0 =	vld [tilespmem:s2+$0x20];
	_ =	sdelay $0x4  }
0x2a: {  	(xrf0) =	vadd.scan.msk.s32 $0xffff, v0;
	_ =	sdelay $0x4  }
0x2b: {  	s20 =	spop (v2sf)  }
0x2c: {  	s12 =	sadd.s32 s19, s20;
	v61, _, _ =	vpop (xrf0)  }
0x2d: {  	v62 =	vadd.s32 s12, v61  }
0x2e: {  	(v2sf) =	vpush v61, $0xF;
	v0 =	vmul.u32 v0, v62;
	_ =	sdelay $0x1  }
0x2f: {  	v0 =	vcvt.s32.f32 v0;
	_ =	sdelay $0x1  }
0x30: {  	[tilespmem:$0x2020] =	vst v0  }
0x31: {  	v0 =	vld [tilespmem:s2+$0x30];
	_ =	sdelay $0x4  }
0x32: {  	(xrf0) =	vadd.scan.msk.s32 $0xffff, v0;
	_ =	sdelay $0x4  }
0x33: {  	s21 =	spop (v2sf)  }
0x34: {  	s12 =	sadd.s32 s12, s21;
	v63, _, _ =	vpop (xrf0)  }
0x35: {  	v4 =	vadd.s32 s12, v63  }
0x36: {  	(v2sf) =	vpush v63, $0xF;
	v0 =	vmul.u32 v0, v4;
	_ =	sdelay $0x1  }
0x37: {  	v0 =	vcvt.s32.f32 v0;
	_ =	sdelay $0x1  }
0x38: {  	[tilespmem:$0x2030] =	vst v0  }
0x39: {  	v0 =	vld [tilespmem:s2+$0x40];
	_ =	sdelay $0x4  }
0x3a: {  	(xrf0) =	vadd.scan.msk.s32 $0xffff, v0;
	_ =	sdelay $0x4  }
0x3b: {  	s22 =	spop (v2sf)  }
0x3c: {  	s12 =	sadd.s32 s12, s22;
	v5, _, _ =	vpop (xrf0)  }
0x3d: {  	v6 =	vadd.s32 s12, v5  }
0x3e: {  	(v2sf) =	vpush v5, $0xF;
	v0 =	vmul.u32 v0, v6;
	_ =	sdelay $0x1  }
0x3f: {  	v0 =	vcvt.s32.f32 v0;
	_ =	sdelay $0x1  }
0x40: {  	[tilespmem:$0x2040] =	vst v0  }
0x41: {  	v0 =	vld [tilespmem:s2+$0x50];
	_ =	sdelay $0x4  }
0x42: {  	(xrf0) =	vadd.scan.msk.s32 $0xffff, v0;
	_ =	sdelay $0x4  }
0x43: {  	s23 =	spop (v2sf)  }
0x44: {  	s12 =	sadd.s32 s12, s23;
	v7, _, _ =	vpop (xrf0)  }
0x45: {  	v8 =	vadd.s32 s12, v7  }
0x46: {  	(v2sf) =	vpush v7, $0xF;
	v0 =	vmul.u32 v0, v8;
	_ =	sdelay $0x1  }
0x47: {  	v0 =	vcvt.s32.f32 v0;
	_ =	sdelay $0x1  }
0x48: {  	[tilespmem:$0x2050] =	vst v0  }
0x49: {  	v0 =	vld [tilespmem:s2+$0x60];
	_ =	sdelay $0x4  }
0x4a: {  	(xrf0) =	vadd.scan.msk.s32 $0xffff, v0;
	_ =	sdelay $0x4  }
0x4b: {  	s24 =	spop (v2sf)  }
0x4c: {  	s12 =	sadd.s32 s12, s24;
	v9, _, _ =	vpop (xrf0)  }
0x4d: {  	v10 =	vadd.s32 s12, v9  }
0x4e: {  	(v2sf) =	vpush v9, $0xF;
	v0 =	vmul.u32 v0, v10;
	_ =	sdelay $0x1  }
0x4f: {  	v0 =	vcvt.s32.f32 v0;
	_ =	sdelay $0x1  }
0x50: {  	[tilespmem:$0x2060] =	vst v0  }
0x51: {  	v0 =	vld [tilespmem:s2+$0x70];
	_ =	sdelay $0x4  }
0x52: {  	(xrf0) =	vadd.scan.msk.s32 $0xffff, v0;
	_ =	sdelay $0x4  }
0x53: {  	s25 =	spop (v2sf)  }
0x54: {  	s12 =	sadd.s32 s12, s25;
	v11, _, _ =	vpop (xrf0)  }
0x55: {  	v12 =	vadd.s32 s12, v11  }
0x56: {  	(v2sf) =	vpush v11, $0xF;
	v0 =	vmul.u32 v0, v12;
	_ =	sdelay $0x1  }
0x57: {  	v0 =	vcvt.s32.f32 v0;
	_ =	sdelay $0x1  }
0x58: {  	[tilespmem:$0x2070] =	vst v0  }
0x59: {  	v0 =	vld [tilespmem:s2+$0x80];
	_ =	sdelay $0x4  }
0x5a: {  	(xrf0) =	vadd.scan.msk.s32 $0xffff, v0;
	_ =	sdelay $0x4  }
0x5b: {  	s26 =	spop (v2sf)  }
0x5c: {  	s12 =	sadd.s32 s12, s26;
	v13, _, _ =	vpop (xrf0)  }
0x5d: {  	v14 =	vadd.s32 s12, v13  }
0x5e: {  	(v2sf) =	vpush v13, $0xF;
	v0 =	vmul.u32 v0, v14;
	_ =	sdelay $0x1  }
0x5f: {  	v0 =	vcvt.s32.f32 v0;
	_ =	sdelay $0x1  }
0x60: {  	[tilespmem:$0x2080] =	vst v0  }
0x61: {  	v0 =	vld [tilespmem:s2+$0x90];
	_ =	sdelay $0x4  }
0x62: {  	(xrf0) =	vadd.scan.msk.s32 $0xffff, v0;
	_ =	sdelay $0x4  }
0x63: {  	s28 =	spop (v2sf)  }
0x64: {  	s12 =	sadd.s32 s12, s28;
	v15, _, _ =	vpop (xrf0)  }
0x65: {  	v16 =	vadd.s32 s12, v15  }
0x66: {  	(v2sf) =	vpush v15, $0xF;
	v0 =	vmul.u32 v0, v16;
	_ =	sdelay $0x1  }
0x67: {  	v0 =	vcvt.s32.f32 v0;
	_ =	sdelay $0x1  }
0x68: {  	[tilespmem:$0x2090] =	vst v0  }
0x69: {  	v0 =	vld [tilespmem:s2+$0xA0];
	_ =	sdelay $0x4  }
0x6a: {  	(xrf0) =	vadd.scan.msk.s32 $0xffff, v0;
	_ =	sdelay $0x4  }
0x6b: {  	s29 =	spop (v2sf)  }
0x6c: {  	s12 =	sadd.s32 s12, s29;
	v17, _, _ =	vpop (xrf0)  }
0x6d: {  	v18 =	vadd.s32 s12, v17  }
0x6e: {  	(v2sf) =	vpush v17, $0xF;
	v0 =	vmul.u32 v0, v18;
	_ =	sdelay $0x1  }
0x6f: {  	v0 =	vcvt.s32.f32 v0;
	_ =	sdelay $0x1  }
0x70: {  	[tilespmem:$0x20A0] =	vst v0  }
0x71: {  	v0 =	vld [tilespmem:s2+$0xB0];
	_ =	sdelay $0x4  }
0x72: {  	(xrf0) =	vadd.scan.msk.s32 $0xffff, v0;
	_ =	sdelay $0x4  }
0x73: {  	s30 =	spop (v2sf)  }
0x74: {  	s12 =	sadd.s32 s12, s30;
	v19, _, _ =	vpop (xrf0)  }
0x75: {  	v20 =	vadd.s32 s12, v19  }
0x76: {  	(v2sf) =	vpush v19, $0xF;
	v0 =	vmul.u32 v0, v20;
	_ =	sdelay $0x1  }
0x77: {  	v0 =	vcvt.s32.f32 v0;
	_ =	sdelay $0x1  }
0x78: {  	[tilespmem:$0x20B0] =	vst v0  }
0x79: {  	v0 =	vld [tilespmem:s2+$0xC0];
	_ =	sdelay $0x4  }
0x7a: {  	(xrf0) =	vadd.scan.msk.s32 $0xffff, v0;
	_ =	sdelay $0x4  }
0x7b: {  	s31 =	spop (v2sf)  }
0x7c: {  	s12 =	sadd.s32 s12, s31;
	v21, _, _ =	vpop (xrf0)  }
0x7d: {  	v22 =	vadd.s32 s12, v21  }
0x7e: {  	(v2sf) =	vpush v21, $0xF;
	v0 =	vmul.u32 v0, v22;
	_ =	sdelay $0x1  }
0x7f: {  	v0 =	vcvt.s32.f32 v0;
	_ =	sdelay $0x1  }
0x80: {  	[tilespmem:$0x20C0] =	vst v0  }
0x81: {  	v0 =	vld [tilespmem:s2+$0xD0];
	_ =	sdelay $0x4  }
0x82: {  	(xrf0) =	vadd.scan.msk.s32 $0xffff, v0;
	_ =	sdelay $0x4  }
0x83: {  	s14 =	spop (v2sf)  }
0x84: {  	s12 =	sadd.s32 s12, s14;
	v23, _, _ =	vpop (xrf0)  }
0x85: {  	v24 =	vadd.s32 s12, v23  }
0x86: {  	(v2sf) =	vpush v23, $0xF;
	v0 =	vmul.u32 v0, v24;
	_ =	sdelay $0x1  }
0x87: {  	v0 =	vcvt.s32.f32 v0;
	_ =	sdelay $0x1  }
0x88: {  	[tilespmem:$0x20D0] =	vst v0  }
0x89: {  	v0 =	vld [tilespmem:s2+$0xE0];
	_ =	sdelay $0x4  }
0x8a: {  	(xrf0) =	vadd.scan.msk.s32 $0xffff, v0;
	_ =	sdelay $0x4  }
0x8b: {  	s15 =	spop (v2sf)  }
0x8c: {  	s12 =	sadd.s32 s12, s15;
	v25, _, _ =	vpop (xrf0)  }
0x8d: {  	v26 =	vadd.s32 s12, v25  }
0x8e: {  	(v2sf) =	vpush v25, $0xF;
	v0 =	vmul.u32 v0, v26;
	_ =	sdelay $0x1  }
0x8f: {  	v0 =	vcvt.s32.f32 v0;
	_ =	sdelay $0x1  }
0x90: {  	[tilespmem:$0x20E0] =	vst v0  }
0x91: {  	v0 =	vld [tilespmem:s2+$0xF0];
	_ =	sdelay $0x4  }
0x92: {  	(xrf0) =	vadd.scan.msk.s32 $0xffff, v0;
	_ =	sdelay $0x4  }
0x93: {  	s16 =	spop (v2sf)  }
0x94: {  	s12 =	sadd.s32 s12, s16;
	v27, _, _ =	vpop (xrf0)  }
0x95: {  	v28 =	vadd.s32 s12, v27  }
0x96: {  	(v2sf) =	vpush v27, $0xF;
	v0 =	vmul.u32 v0, v28;
	_ =	sdelay $0x1  }
0x97: {  	v0 =	vcvt.s32.f32 v0;
	_ =	sdelay $0x1  }
0x98: {  	[tilespmem:$0x20F0] =	vst v0  }
0x99: {  	v0 =	vld [tilespmem:s2+$0x100];
	_ =	sdelay $0x4  }
0x9a: {  	(xrf0) =	vadd.scan.msk.s32 $0xffff, v0;
	_ =	sdelay $0x4  }
0x9b: {  	s17 =	spop (v2sf)  }
0x9c: {  	s12 =	sadd.s32 s12, s17;
	v29, _, _ =	vpop (xrf0)  }
0x9d: {  	v30 =	vadd.s32 s12, v29  }
0x9e: {  	(v2sf) =	vpush v29, $0xF;
	v0 =	vmul.u32 v0, v30;
	_ =	sdelay $0x1  }
0x9f: {  	v0 =	vcvt.s32.f32 v0;
	_ =	sdelay $0x1  }
0xa0: {  	[tilespmem:$0x2100] =	vst v0  }
0xa1: {  	v0 =	vld [tilespmem:s2+$0x110];
	_ =	sdelay $0x4  }
0xa2: {  	(xrf0) =	vadd.scan.msk.s32 $0xffff, v0;
	_ =	sdelay $0x4  }
0xa3: {  	s18 =	spop (v2sf)  }
0xa4: {  	s12 =	sadd.s32 s12, s18;
	v31, _, _ =	vpop (xrf0)  }
0xa5: {  	v32 =	vadd.s32 s12, v31  }
0xa6: {  	(v2sf) =	vpush v31, $0xF;
	v0 =	vmul.u32 v0, v32;
	_ =	sdelay $0x1  }
0xa7: {  	v0 =	vcvt.s32.f32 v0;
	_ =	sdelay $0x1  }
0xa8: {  	[tilespmem:$0x2110] =	vst v0  }
0xa9: {  	v0 =	vld [tilespmem:s2+$0x120];
	_ =	sdelay $0x4  }
0xaa: {  	(xrf0) =	vadd.scan.msk.s32 $0xffff, v0;
	_ =	sdelay $0x4  }
0xab: {  	s19 =	spop (v2sf)  }
0xac: {  	s12 =	sadd.s32 s12, s19;
	v33, _, _ =	vpop (xrf0)  }
0xad: {  	v34 =	vadd.s32 s12, v33  }
0xae: {  	(v2sf) =	vpush v33, $0xF;
	v0 =	vmul.u32 v0, v34;
	_ =	sdelay $0x1  }
0xaf: {  	v0 =	vcvt.s32.f32 v0;
	_ =	sdelay $0x1  }
0xb0: {  	[tilespmem:$0x2120] =	vst v0  }
0xb1: {  	v0 =	vld [tilespmem:s2+$0x130];
	_ =	sdelay $0x4  }
0xb2: {  	(xrf0) =	vadd.scan.msk.s32 $0xffff, v0;
	_ =	sdelay $0x4  }
0xb3: {  	s20 =	spop (v2sf)  }
0xb4: {  	s12 =	sadd.s32 s12, s20;
	v35, _, _ =	vpop (xrf0)  }
0xb5: {  	v36 =	vadd.s32 s12, v35  }
0xb6: {  	(v2sf) =	vpush v35, $0xF;
	v0 =	vmul.u32 v0, v36;
	_ =	sdelay $0x1  }
0xb7: {  	v0 =	vcvt.s32.f32 v0;
	_ =	sdelay $0x1  }
0xb8: {  	[tilespmem:$0x2130] =	vst v0  }
0xb9: {  	v0 =	vld [tilespmem:s2+$0x140];
	_ =	sdelay $0x4  }
0xba: {  	(xrf0) =	vadd.scan.msk.s32 $0xffff, v0;
	_ =	sdelay $0x4  }
0xbb: {  	s21 =	spop (v2sf)  }
0xbc: {  	s12 =	sadd.s32 s12, s21;
	v37, _, _ =	vpop (xrf0)  }
0xbd: {  	v38 =	vadd.s32 s12, v37  }
0xbe: {  	(v2sf) =	vpush v37, $0xF;
	v0 =	vmul.u32 v0, v38;
	_ =	sdelay $0x1  }
0xbf: {  	v0 =	vcvt.s32.f32 v0;
	_ =	sdelay $0x1  }
0xc0: {  	[tilespmem:$0x2140] =	vst v0  }
0xc1: {  	v0 =	vld [tilespmem:s2+$0x150];
	_ =	sdelay $0x4  }
0xc2: {  	(xrf0) =	vadd.scan.msk.s32 $0xffff, v0;
	_ =	sdelay $0x4  }
0xc3: {  	s22 =	spop (v2sf)  }
0xc4: {  	s12 =	sadd.s32 s12, s22;
	v39, _, _ =	vpop (xrf0)  }
0xc5: {  	v40 =	vadd.s32 s12, v39  }
0xc6: {  	(v2sf) =	vpush v39, $0xF;
	v0 =	vmul.u32 v0, v40;
	_ =	sdelay $0x1  }
0xc7: {  	v0 =	vcvt.s32.f32 v0;
	_ =	sdelay $0x1  }
0xc8: {  	[tilespmem:$0x2150] =	vst v0  }
0xc9: {  	v0 =	vld [tilespmem:s2+$0x160];
	_ =	sdelay $0x4  }
0xca: {  	(xrf0) =	vadd.scan.msk.s32 $0xffff, v0;
	_ =	sdelay $0x4  }
0xcb: {  	s23 =	spop (v2sf)  }
0xcc: {  	s12 =	sadd.s32 s12, s23;
	v41, _, _ =	vpop (xrf0)  }
0xcd: {  	v42 =	vadd.s32 s12, v41  }
0xce: {  	(v2sf) =	vpush v41, $0xF;
	v0 =	vmul.u32 v0, v42;
	_ =	sdelay $0x1  }
0xcf: {  	v0 =	vcvt.s32.f32 v0;
	_ =	sdelay $0x1  }
0xd0: {  	[tilespmem:$0x2160] =	vst v0  }
0xd1: {  	v0 =	vld [tilespmem:s2+$0x170];
	_ =	sdelay $0x4  }
0xd2: {  	(xrf0) =	vadd.scan.msk.s32 $0xffff, v0;
	_ =	sdelay $0x4  }
0xd3: {  	s24 =	spop (v2sf)  }
0xd4: {  	s12 =	sadd.s32 s12, s24;
	v43, _, _ =	vpop (xrf0)  }
0xd5: {  	v44 =	vadd.s32 s12, v43  }
0xd6: {  	(v2sf) =	vpush v43, $0xF;
	v0 =	vmul.u32 v0, v44;
	_ =	sdelay $0x1  }
0xd7: {  	v0 =	vcvt.s32.f32 v0;
	_ =	sdelay $0x1  }
0xd8: {  	[tilespmem:$0x2170] =	vst v0  }
0xd9: {  	v0 =	vld [tilespmem:s2+$0x180];
	_ =	sdelay $0x4  }
0xda: {  	(xrf0) =	vadd.scan.msk.s32 $0xffff, v0;
	_ =	sdelay $0x4  }
0xdb: {  	s25 =	spop (v2sf)  }
0xdc: {  	s12 =	sadd.s32 s12, s25;
	v45, _, _ =	vpop (xrf0)  }
0xdd: {  	v46 =	vadd.s32 s12, v45  }
0xde: {  	(v2sf) =	vpush v45, $0xF;
	v0 =	vmul.u32 v0, v46;
	_ =	sdelay $0x1  }
0xdf: {  	v0 =	vcvt.s32.f32 v0;
	_ =	sdelay $0x1  }
0xe0: {  	[tilespmem:$0x2180] =	vst v0  }
0xe1: {  	v0 =	vld [tilespmem:s2+$0x190];
	_ =	sdelay $0x4  }
0xe2: {  	(xrf0) =	vadd.scan.msk.s32 $0xffff, v0;
	_ =	sdelay $0x4  }
0xe3: {  	s26 =	spop (v2sf)  }
0xe4: {  	s12 =	sadd.s32 s12, s26;
	v47, _, _ =	vpop (xrf0)  }
0xe5: {  	v48 =	vadd.s32 s12, v47  }
0xe6: {  	(v2sf) =	vpush v47, $0xF;
	v0 =	vmul.u32 v0, v48;
	_ =	sdelay $0x1  }
0xe7: {  	v0 =	vcvt.s32.f32 v0;
	_ =	sdelay $0x1  }
0xe8: {  	[tilespmem:$0x2190] =	vst v0  }
0xe9: {  	v0 =	vld [tilespmem:s2+$0x1A0];
	_ =	sdelay $0x4  }
0xea: {  	(xrf0) =	vadd.scan.msk.s32 $0xffff, v0;
	_ =	sdelay $0x4  }
0xeb: {  	s28 =	spop (v2sf)  }
0xec: {  	s12 =	sadd.s32 s12, s28;
	v49, _, _ =	vpop (xrf0)  }
0xed: {  	v50 =	vadd.s32 s12, v49  }
0xee: {  	(v2sf) =	vpush v49, $0xF;
	v0 =	vmul.u32 v0, v50;
	_ =	sdelay $0x1  }
0xef: {  	v0 =	vcvt.s32.f32 v0;
	_ =	sdelay $0x1  }
0xf0: {  	[tilespmem:$0x21A0] =	vst v0  }
0xf1: {  	v0 =	vld [tilespmem:s2+$0x1B0];
	_ =	sdelay $0x4  }
0xf2: {  	(xrf0) =	vadd.scan.msk.s32 $0xffff, v0;
	_ =	sdelay $0x4  }
0xf3: {  	s29 =	spop (v2sf)  }
0xf4: {  	s12 =	sadd.s32 s12, s29;
	v51, _, _ =	vpop (xrf0)  }
0xf5: {  	v52 =	vadd.s32 s12, v51  }
0xf6: {  	(v2sf) =	vpush v51, $0xF;
	v0 =	vmul.u32 v0, v52;
	_ =	sdelay $0x1  }
0xf7: {  	v0 =	vcvt.s32.f32 v0;
	_ =	sdelay $0x1  }
0xf8: {  	[tilespmem:$0x21B0] =	vst v0  }
0xf9: {  	v0 =	vld [tilespmem:s2+$0x1C0];
	_ =	sdelay $0x4  }
0xfa: {  	(xrf0) =	vadd.scan.msk.s32 $0xffff, v0;
	_ =	sdelay $0x4  }
0xfb: {  	s30 =	spop (v2sf)  }
0xfc: {  	s12 =	sadd.s32 s12, s30;
	v53, _, _ =	vpop (xrf0)  }
0xfd: {  	v54 =	vadd.s32 s12, v53  }
0xfe: {  	(v2sf) =	vpush v53, $0xF;
	v0 =	vmul.u32 v0, v54;
	_ =	sdelay $0x1  }
0xff: {  	v0 =	vcvt.s32.f32 v0;
	_ =	sdelay $0x1  }
0x100: {  	[tilespmem:$0x21C0] =	vst v0  }
0x101: {  	v0 =	vld [tilespmem:s2+$0x1D0];
	_ =	sdelay $0x4  }
0x102: {  	(xrf0) =	vadd.scan.msk.s32 $0xffff, v0;
	_ =	sdelay $0x4  }
0x103: {  	s31 =	spop (v2sf)  }
0x104: {  	s12 =	sadd.s32 s12, s31;
	v55, _, _ =	vpop (xrf0)  }
0x105: {  	v56 =	vadd.s32 s12, v55  }
0x106: {  	(v2sf) =	vpush v55, $0xF;
	v0 =	vmul.u32 v0, v56;
	_ =	sdelay $0x1  }
0x107: {  	v0 =	vcvt.s32.f32 v0;
	_ =	sdelay $0x1  }
0x108: {  	[tilespmem:$0x21D0] =	vst v0  }
0x109: {  	v0 =	vld [tilespmem:s2+$0x1E0];
	_ =	sdelay $0x4  }
0x10a: {  	(xrf0) =	vadd.scan.msk.s32 $0xffff, v0;
	_ =	sdelay $0x4  }
0x10b: {  	s14 =	spop (v2sf)  }
0x10c: {  	s12 =	sadd.s32 s12, s14;
	v57, _, _ =	vpop (xrf0)  }
0x10d: {  	v58 =	vadd.s32 s12, v57  }
0x10e: {  	(v2sf) =	vpush v57, $0xF;
	v0 =	vmul.u32 v0, v58;
	_ =	sdelay $0x1  }
0x10f: {  	v0 =	vcvt.s32.f32 v0;
	_ =	sdelay $0x1  }
0x110: {  	[tilespmem:$0x21E0] =	vst v0  }
0x111: {  	v0 =	vld [tilespmem:s2+$0x1F0];
	_ =	sdelay $0x4  }
0x112: {  	(xrf0) =	vadd.scan.msk.s32 $0xffff, v0;
	_ =	sdelay $0x4  }
0x113: {  	s15 =	spop (v2sf)  }
0x114: {  	s12 =	sadd.s32 s12, s15;
	v59, _, _ =	vpop (xrf0)  }
0x115: {  	v60 =	vadd.s32 s12, v59  }
0x116: {  	(v2sf) =	vpush v59, $0xF;
	v0 =	vmul.u32 v0, v60;
	_ =	sdelay $0x1  }
0x117: {  	v0 =	vcvt.s32.f32 v0;
	_ =	sdelay $0x1  }
0x118: {  	[tilespmem:$0x21F0] =	vst v0  }
0x119: {  	v0 =	vld [tilespmem:s2+$0x200];
	_ =	sdelay $0x4  }
0x11a: {  	(xrf0) =	vadd.scan.msk.s32 $0xffff, v0;
	_ =	sdelay $0x4  }
0x11b: {  	s16 =	spop (v2sf)  }
0x11c: {  	s12 =	sadd.s32 s12, s16;
	v61, _, _ =	vpop (xrf0)  }
0x11d: {  	v62 =	vadd.s32 s12, v61  }
0x11e: {  	(v2sf) =	vpush v61, $0xF;
	v0 =	vmul.u32 v0, v62;
	_ =	sdelay $0x1  }
0x11f: {  	v0 =	vcvt.s32.f32 v0;
	_ =	sdelay $0x1  }
0x120: {  	[tilespmem:$0x2200] =	vst v0  }
0x121: {  	v0 =	vld [tilespmem:s2+$0x210];
	_ =	sdelay $0x4  }
0x122: {  	(xrf0) =	vadd.scan.msk.s32 $0xffff, v0;
	_ =	sdelay $0x4  }
0x123: {  	s17 =	spop (v2sf)  }
0x124: {  	s12 =	sadd.s32 s12, s17;
	v63, _, _ =	vpop (xrf0)  }
0x125: {  	v4 =	vadd.s32 s12, v63  }
0x126: {  	(v2sf) =	vpush v63, $0xF;
	v0 =	vmul.u32 v0, v4;
	_ =	sdelay $0x1  }
0x127: {  	v0 =	vcvt.s32.f32 v0;
	_ =	sdelay $0x1  }
0x128: {  	[tilespmem:$0x2210] =	vst v0  }
0x129: {  	v0 =	vld [tilespmem:s2+$0x220];
	_ =	sdelay $0x4  }
0x12a: {  	(xrf0) =	vadd.scan.msk.s32 $0xffff, v0;
	_ =	sdelay $0x4  }
0x12b: {  	s18 =	spop (v2sf)  }
0x12c: {  	s12 =	sadd.s32 s12, s18;
	v5, _, _ =	vpop (xrf0)  }
0x12d: {  	v6 =	vadd.s32 s12, v5  }
0x12e: {  	(v2sf) =	vpush v5, $0xF;
	v0 =	vmul.u32 v0, v6;
	_ =	sdelay $0x1  }
0x12f: {  	v0 =	vcvt.s32.f32 v0;
	_ =	sdelay $0x1  }
0x130: {  	[tilespmem:$0x2220] =	vst v0  }
0x131: {  	v0 =	vld [tilespmem:s2+$0x230];
	_ =	sdelay $0x4  }
0x132: {  	(xrf0) =	vadd.scan.msk.s32 $0xffff, v0;
	_ =	sdelay $0x4  }
0x133: {  	s19 =	spop (v2sf)  }
0x134: {  	s12 =	sadd.s32 s12, s19;
	v7, _, _ =	vpop (xrf0)  }
0x135: {  	v8 =	vadd.s32 s12, v7  }
0x136: {  	(v2sf) =	vpush v7, $0xF;
	v0 =	vmul.u32 v0, v8;
	_ =	sdelay $0x1  }
0x137: {  	v0 =	vcvt.s32.f32 v0;
	_ =	sdelay $0x1  }
0x138: {  	[tilespmem:$0x2230] =	vst v0  }
0x139: {  	v0 =	vld [tilespmem:s2+$0x240];
	_ =	sdelay $0x4  }
0x13a: {  	(xrf0) =	vadd.scan.msk.s32 $0xffff, v0;
	_ =	sdelay $0x4  }
0x13b: {  	s20 =	spop (v2sf)  }
0x13c: {  	s12 =	sadd.s32 s12, s20;
	v9, _, _ =	vpop (xrf0)  }
0x13d: {  	v10 =	vadd.s32 s12, v9  }
0x13e: {  	(v2sf) =	vpush v9, $0xF;
	v0 =	vmul.u32 v0, v10;
	_ =	sdelay $0x1  }
0x13f: {  	v0 =	vcvt.s32.f32 v0;
	_ =	sdelay $0x1  }
0x140: {  	[tilespmem:$0x2240] =	vst v0  }
0x141: {  	v0 =	vld [tilespmem:s2+$0x250];
	_ =	sdelay $0x4  }
0x142: {  	(xrf0) =	vadd.scan.msk.s32 $0xffff, v0;
	_ =	sdelay $0x4  }
0x143: {  	s21 =	spop (v2sf)  }
0x144: {  	s12 =	sadd.s32 s12, s21;
	v11, _, _ =	vpop (xrf0)  }
0x145: {  	v12 =	vadd.s32 s12, v11  }
0x146: {  	(v2sf) =	vpush v11, $0xF;
	v0 =	vmul.u32 v0, v12;
	_ =	sdelay $0x1  }
0x147: {  	v0 =	vcvt.s32.f32 v0;
	_ =	sdelay $0x1  }
0x148: {  	[tilespmem:$0x2250] =	vst v0  }
0x149: {  	v0 =	vld [tilespmem:s2+$0x260];
	_ =	sdelay $0x4  }
0x14a: {  	(xrf0) =	vadd.scan.msk.s32 $0xffff, v0;
	_ =	sdelay $0x4  }
0x14b: {  	s22 =	spop (v2sf)  }
0x14c: {  	s12 =	sadd.s32 s12, s22;
	v13, _, _ =	vpop (xrf0)  }
0x14d: {  	v14 =	vadd.s32 s12, v13  }
0x14e: {  	(v2sf) =	vpush v13, $0xF;
	v0 =	vmul.u32 v0, v14;
	_ =	sdelay $0x1  }
0x14f: {  	v0 =	vcvt.s32.f32 v0;
	_ =	sdelay $0x1  }
0x150: {  	[tilespmem:$0x2260] =	vst v0  }
0x151: {  	v0 =	vld [tilespmem:s2+$0x270];
	_ =	sdelay $0x4  }
0x152: {  	(xrf0) =	vadd.scan.msk.s32 $0xffff, v0;
	_ =	sdelay $0x4  }
0x153: {  	s23 =	spop (v2sf)  }
0x154: {  	s12 =	sadd.s32 s12, s23;
	v15, _, _ =	vpop (xrf0)  }
0x155: {  	v16 =	vadd.s32 s12, v15  }
0x156: {  	(v2sf) =	vpush v15, $0xF;
	v0 =	vmul.u32 v0, v16;
	_ =	sdelay $0x1  }
0x157: {  	v0 =	vcvt.s32.f32 v0;
	_ =	sdelay $0x1  }
0x158: {  	[tilespmem:$0x2270] =	vst v0  }
0x159: {  	v0 =	vld [tilespmem:s2+$0x280];
	_ =	sdelay $0x4  }
0x15a: {  	(xrf0) =	vadd.scan.msk.s32 $0xffff, v0;
	_ =	sdelay $0x4  }
0x15b: {  	s24 =	spop (v2sf)  }
0x15c: {  	s12 =	sadd.s32 s12, s24;
	v17, _, _ =	vpop (xrf0)  }
0x15d: {  	v18 =	vadd.s32 s12, v17  }
0x15e: {  	(v2sf) =	vpush v17, $0xF;
	v0 =	vmul.u32 v0, v18;
	_ =	sdelay $0x1  }
0x15f: {  	v0 =	vcvt.s32.f32 v0;
	_ =	sdelay $0x1  }
0x160: {  	[tilespmem:$0x2280] =	vst v0  }
0x161: {  	v0 =	vld [tilespmem:s2+$0x290];
	_ =	sdelay $0x4  }
0x162: {  	(xrf0) =	vadd.scan.msk.s32 $0xffff, v0;
	_ =	sdelay $0x4  }
0x163: {  	s25 =	spop (v2sf)  }
0x164: {  	s12 =	sadd.s32 s12, s25;
	v19, _, _ =	vpop (xrf0)  }
0x165: {  	v20 =	vadd.s32 s12, v19  }
0x166: {  	(v2sf) =	vpush v19, $0xF;
	v0 =	vmul.u32 v0, v20;
	_ =	sdelay $0x1  }
0x167: {  	v0 =	vcvt.s32.f32 v0;
	_ =	sdelay $0x1  }
0x168: {  	[tilespmem:$0x2290] =	vst v0  }
0x169: {  	v0 =	vld [tilespmem:s2+$0x2A0];
	_ =	sdelay $0x4  }
0x16a: {  	(xrf0) =	vadd.scan.msk.s32 $0xffff, v0;
	_ =	sdelay $0x4  }
0x16b: {  	s26 =	spop (v2sf)  }
0x16c: {  	s12 =	sadd.s32 s12, s26;
	v21, _, _ =	vpop (xrf0)  }
0x16d: {  	v22 =	vadd.s32 s12, v21  }
0x16e: {  	(v2sf) =	vpush v21, $0xF;
	v0 =	vmul.u32 v0, v22;
	_ =	sdelay $0x1  }
0x16f: {  	v0 =	vcvt.s32.f32 v0;
	_ =	sdelay $0x1  }
0x170: {  	[tilespmem:$0x22A0] =	vst v0  }
0x171: {  	v0 =	vld [tilespmem:s2+$0x2B0];
	_ =	sdelay $0x4  }
0x172: {  	(xrf0) =	vadd.scan.msk.s32 $0xffff, v0;
	_ =	sdelay $0x4  }
0x173: {  	s28 =	spop (v2sf)  }
0x174: {  	s12 =	sadd.s32 s12, s28;
	v23, _, _ =	vpop (xrf0)  }
0x175: {  	v24 =	vadd.s32 s12, v23  }
0x176: {  	(v2sf) =	vpush v23, $0xF;
	v0 =	vmul.u32 v0, v24;
	_ =	sdelay $0x1  }
0x177: {  	v0 =	vcvt.s32.f32 v0;
	_ =	sdelay $0x1  }
0x178: {  	[tilespmem:$0x22B0] =	vst v0  }
0x179: {  	v0 =	vld [tilespmem:s2+$0x2C0];
	_ =	sdelay $0x4  }
0x17a: {  	(xrf0) =	vadd.scan.msk.s32 $0xffff, v0;
	_ =	sdelay $0x4  }
0x17b: {  	s29 =	spop (v2sf)  }
0x17c: {  	s12 =	sadd.s32 s12, s29;
	v25, _, _ =	vpop (xrf0)  }
0x17d: {  	v26 =	vadd.s32 s12, v25  }
0x17e: {  	(v2sf) =	vpush v25, $0xF;
	v0 =	vmul.u32 v0, v26;
	_ =	sdelay $0x1  }
0x17f: {  	v0 =	vcvt.s32.f32 v0;
	_ =	sdelay $0x1  }
0x180: {  	[tilespmem:$0x22C0] =	vst v0  }
0x181: {  	v0 =	vld [tilespmem:s2+$0x2D0];
	_ =	sdelay $0x4  }
0x182: {  	(xrf0) =	vadd.scan.msk.s32 $0xffff, v0;
	_ =	sdelay $0x4  }
0x183: {  	s30 =	spop (v2sf)  }
0x184: {  	s12 =	sadd.s32 s12, s30;
	v27, _, _ =	vpop (xrf0)  }
0x185: {  	v28 =	vadd.s32 s12, v27  }
0x186: {  	(v2sf) =	vpush v27, $0xF;
	v0 =	vmul.u32 v0, v28;
	_ =	sdelay $0x1  }
0x187: {  	v0 =	vcvt.s32.f32 v0;
	_ =	sdelay $0x1  }
0x188: {  	[tilespmem:$0x22D0] =	vst v0  }
0x189: {  	v0 =	vld [tilespmem:s2+$0x2E0];
	_ =	sdelay $0x4  }
0x18a: {  	(xrf0) =	vadd.scan.msk.s32 $0xffff, v0;
	_ =	sdelay $0x4  }
0x18b: {  	s31 =	spop (v2sf)  }
0x18c: {  	s12 =	sadd.s32 s12, s31;
	v29, _, _ =	vpop (xrf0)  }
0x18d: {  	v30 =	vadd.s32 s12, v29  }
0x18e: {  	(v2sf) =	vpush v29, $0xF;
	v0 =	vmul.u32 v0, v30;
	_ =	sdelay $0x1  }
0x18f: {  	v0 =	vcvt.s32.f32 v0;
	_ =	sdelay $0x1  }
0x190: {  	[tilespmem:$0x22E0] =	vst v0  }
0x191: {  	v0 =	vld [tilespmem:s2+$0x2F0];
	_ =	sdelay $0x4  }
0x192: {  	(xrf0) =	vadd.scan.msk.s32 $0xffff, v0;
	_ =	sdelay $0x4  }
0x193: {  	s14 =	spop (v2sf)  }
0x194: {  	s12 =	sadd.s32 s12, s14;
	v31, _, _ =	vpop (xrf0)  }
0x195: {  	v32 =	vadd.s32 s12, v31  }
0x196: {  	(v2sf) =	vpush v31, $0xF;
	v0 =	vmul.u32 v0, v32;
	_ =	sdelay $0x1  }
0x197: {  	v0 =	vcvt.s32.f32 v0;
	_ =	sdelay $0x1  }
0x198: {  	[tilespmem:$0x22F0] =	vst v0  }
0x199: {  	v0 =	vld [tilespmem:s2+$0x300];
	_ =	sdelay $0x4  }
0x19a: {  	(xrf0) =	vadd.scan.msk.s32 $0xffff, v0;
	_ =	sdelay $0x4  }
0x19b: {  	s15 =	spop (v2sf)  }
0x19c: {  	s12 =	sadd.s32 s12, s15;
	v33, _, _ =	vpop (xrf0)  }
0x19d: {  	v34 =	vadd.s32 s12, v33  }
0x19e: {  	(v2sf) =	vpush v33, $0xF;
	v0 =	vmul.u32 v0, v34;
	_ =	sdelay $0x1  }
0x19f: {  	v0 =	vcvt.s32.f32 v0;
	_ =	sdelay $0x1  }
0x1a0: {  	[tilespmem:$0x2300] =	vst v0  }
0x1a1: {  	v0 =	vld [tilespmem:s2+$0x310];
	_ =	sdelay $0x4  }
0x1a2: {  	(xrf0) =	vadd.scan.msk.s32 $0xffff, v0;
	_ =	sdelay $0x4  }
0x1a3: {  	s16 =	spop (v2sf)  }
0x1a4: {  	s12 =	sadd.s32 s12, s16;
	v35, _, _ =	vpop (xrf0)  }
0x1a5: {  	v36 =	vadd.s32 s12, v35  }
0x1a6: {  	(v2sf) =	vpush v35, $0xF;
	v0 =	vmul.u32 v0, v36;
	_ =	sdelay $0x1  }
0x1a7: {  	v0 =	vcvt.s32.f32 v0;
	_ =	sdelay $0x1  }
0x1a8: {  	[tilespmem:$0x2310] =	vst v0  }
0x1a9: {  	v0 =	vld [tilespmem:s2+$0x320];
	_ =	sdelay $0x4  }
0x1aa: {  	(xrf0) =	vadd.scan.msk.s32 $0xffff, v0;
	_ =	sdelay $0x4  }
0x1ab: {  	s17 =	spop (v2sf)  }
0x1ac: {  	s12 =	sadd.s32 s12, s17;
	v37, _, _ =	vpop (xrf0)  }
0x1ad: {  	v38 =	vadd.s32 s12, v37  }
0x1ae: {  	(v2sf) =	vpush v37, $0xF;
	v0 =	vmul.u32 v0, v38;
	_ =	sdelay $0x1  }
0x1af: {  	v0 =	vcvt.s32.f32 v0;
	_ =	sdelay $0x1  }
0x1b0: {  	[tilespmem:$0x2320] =	vst v0  }
0x1b1: {  	v0 =	vld [tilespmem:s2+$0x330];
	_ =	sdelay $0x4  }
0x1b2: {  	(xrf0) =	vadd.scan.msk.s32 $0xffff, v0;
	_ =	sdelay $0x4  }
0x1b3: {  	s18 =	spop (v2sf)  }
0x1b4: {  	s12 =	sadd.s32 s12, s18;
	v39, _, _ =	vpop (xrf0)  }
0x1b5: {  	v40 =	vadd.s32 s12, v39  }
0x1b6: {  	(v2sf) =	vpush v39, $0xF;
	v0 =	vmul.u32 v0, v40;
	_ =	sdelay $0x1  }
0x1b7: {  	v0 =	vcvt.s32.f32 v0;
	_ =	sdelay $0x1  }
0x1b8: {  	[tilespmem:$0x2330] =	vst v0  }
0x1b9: {  	v0 =	vld [tilespmem:s2+$0x340];
	_ =	sdelay $0x4  }
0x1ba: {  	(xrf0) =	vadd.scan.msk.s32 $0xffff, v0;
	_ =	sdelay $0x4  }
0x1bb: {  	s19 =	spop (v2sf)  }
0x1bc: {  	s12 =	sadd.s32 s12, s19;
	v41, _, _ =	vpop (xrf0)  }
0x1bd: {  	v42 =	vadd.s32 s12, v41  }
0x1be: {  	(v2sf) =	vpush v41, $0xF;
	v0 =	vmul.u32 v0, v42;
	_ =	sdelay $0x1  }
0x1bf: {  	v0 =	vcvt.s32.f32 v0;
	_ =	sdelay $0x1  }
0x1c0: {  	[tilespmem:$0x2340] =	vst v0  }
0x1c1: {  	v0 =	vld [tilespmem:s2+$0x350];
	_ =	sdelay $0x4  }
0x1c2: {  	(xrf0) =	vadd.scan.msk.s32 $0xffff, v0;
	_ =	sdelay $0x4  }
0x1c3: {  	s20 =	spop (v2sf)  }
0x1c4: {  	s12 =	sadd.s32 s12, s20;
	v43, _, _ =	vpop (xrf0)  }
0x1c5: {  	v44 =	vadd.s32 s12, v43  }
0x1c6: {  	(v2sf) =	vpush v43, $0xF;
	v0 =	vmul.u32 v0, v44;
	_ =	sdelay $0x1  }
0x1c7: {  	v0 =	vcvt.s32.f32 v0;
	_ =	sdelay $0x1  }
0x1c8: {  	[tilespmem:$0x2350] =	vst v0  }
0x1c9: {  	v0 =	vld [tilespmem:s2+$0x360];
	_ =	sdelay $0x4  }
0x1ca: {  	(xrf0) =	vadd.scan.msk.s32 $0xffff, v0;
	_ =	sdelay $0x4  }
0x1cb: {  	s21 =	spop (v2sf)  }
0x1cc: {  	s12 =	sadd.s32 s12, s21;
	v45, _, _ =	vpop (xrf0)  }
0x1cd: {  	v46 =	vadd.s32 s12, v45  }
0x1ce: {  	(v2sf) =	vpush v45, $0xF;
	v0 =	vmul.u32 v0, v46;
	_ =	sdelay $0x1  }
0x1cf: {  	v0 =	vcvt.s32.f32 v0;
	_ =	sdelay $0x1  }
0x1d0: {  	[tilespmem:$0x2360] =	vst v0  }
0x1d1: {  	v0 =	vld [tilespmem:s2+$0x370];
	_ =	sdelay $0x4  }
0x1d2: {  	(xrf0) =	vadd.scan.msk.s32 $0xffff, v0;
	_ =	sdelay $0x4  }
0x1d3: {  	s22 =	spop (v2sf)  }
0x1d4: {  	s12 =	sadd.s32 s12, s22;
	v47, _, _ =	vpop (xrf0)  }
0x1d5: {  	v48 =	vadd.s32 s12, v47  }
0x1d6: {  	(v2sf) =	vpush v47, $0xF;
	v0 =	vmul.u32 v0, v48;
	_ =	sdelay $0x1  }
0x1d7: {  	v0 =	vcvt.s32.f32 v0;
	_ =	sdelay $0x1  }
0x1d8: {  	[tilespmem:$0x2370] =	vst v0  }
0x1d9: {  	v0 =	vld [tilespmem:s2+$0x380];
	_ =	sdelay $0x4  }
0x1da: {  	(xrf0) =	vadd.scan.msk.s32 $0xffff, v0;
	_ =	sdelay $0x4  }
0x1db: {  	s23 =	spop (v2sf)  }
0x1dc: {  	s12 =	sadd.s32 s12, s23;
	v49, _, _ =	vpop (xrf0)  }
0x1dd: {  	v50 =	vadd.s32 s12, v49  }
0x1de: {  	(v2sf) =	vpush v49, $0xF;
	v0 =	vmul.u32 v0, v50;
	_ =	sdelay $0x1  }
0x1df: {  	v0 =	vcvt.s32.f32 v0;
	_ =	sdelay $0x1  }
0x1e0: {  	[tilespmem:$0x2380] =	vst v0  }
0x1e1: {  	v0 =	vld [tilespmem:s2+$0x390];
	_ =	sdelay $0x4  }
0x1e2: {  	(xrf0) =	vadd.scan.msk.s32 $0xffff, v0;
	_ =	sdelay $0x4  }
0x1e3: {  	s24 =	spop (v2sf)  }
0x1e4: {  	s12 =	sadd.s32 s12, s24;
	v51, _, _ =	vpop (xrf0)  }
0x1e5: {  	v52 =	vadd.s32 s12, v51  }
0x1e6: {  	(v2sf) =	vpush v51, $0xF;
	v0 =	vmul.u32 v0, v52;
	_ =	sdelay $0x1  }
0x1e7: {  	v0 =	vcvt.s32.f32 v0;
	_ =	sdelay $0x1  }
0x1e8: {  	[tilespmem:$0x2390] =	vst v0  }
0x1e9: {  	v0 =	vld [tilespmem:s2+$0x3A0];
	_ =	sdelay $0x4  }
0x1ea: {  	(xrf0) =	vadd.scan.msk.s32 $0xffff, v0;
	_ =	sdelay $0x4  }
0x1eb: {  	s25 =	spop (v2sf)  }
0x1ec: {  	s12 =	sadd.s32 s12, s25;
	v53, _, _ =	vpop (xrf0)  }
0x1ed: {  	v54 =	vadd.s32 s12, v53  }
0x1ee: {  	(v2sf) =	vpush v53, $0xF;
	v0 =	vmul.u32 v0, v54;
	_ =	sdelay $0x1  }
0x1ef: {  	v0 =	vcvt.s32.f32 v0;
	_ =	sdelay $0x1  }
0x1f0: {  	[tilespmem:$0x23A0] =	vst v0  }
0x1f1: {  	v0 =	vld [tilespmem:s2+$0x3B0];
	_ =	sdelay $0x4  }
0x1f2: {  	(xrf0) =	vadd.scan.msk.s32 $0xffff, v0;
	_ =	sdelay $0x4  }
0x1f3: {  	s26 =	spop (v2sf)  }
0x1f4: {  	s12 =	sadd.s32 s12, s26;
	v55, _, _ =	vpop (xrf0)  }
0x1f5: {  	v56 =	vadd.s32 s12, v55  }
0x1f6: {  	(v2sf) =	vpush v55, $0xF;
	v0 =	vmul.u32 v0, v56;
	_ =	sdelay $0x1  }
0x1f7: {  	v0 =	vcvt.s32.f32 v0;
	_ =	sdelay $0x1  }
0x1f8: {  	[tilespmem:$0x23B0] =	vst v0  }
0x1f9: {  	v0 =	vld [tilespmem:s2+$0x3C0];
	_ =	sdelay $0x4  }
0x1fa: {  	(xrf0) =	vadd.scan.msk.s32 $0xffff, v0;
	_ =	sdelay $0x4  }
0x1fb: {  	s28 =	spop (v2sf)  }
0x1fc: {  	s12 =	sadd.s32 s12, s28;
	v57, _, _ =	vpop (xrf0)  }
0x1fd: {  	v58 =	vadd.s32 s12, v57  }
0x1fe: {  	(v2sf) =	vpush v57, $0xF;
	v0 =	vmul.u32 v0, v58;
	_ =	sdelay $0x1  }
0x1ff: {  	v0 =	vcvt.s32.f32 v0;
	_ =	sdelay $0x1  }
0x200: {  	[tilespmem:$0x23C0] =	vst v0  }
0x201: {  	v0 =	vld [tilespmem:s2+$0x3D0];
	_ =	sdelay $0x4  }
0x202: {  	(xrf0) =	vadd.scan.msk.s32 $0xffff, v0;
	_ =	sdelay $0x4  }
0x203: {  	s29 =	spop (v2sf)  }
0x204: {  	s12 =	sadd.s32 s12, s29;
	v59, _, _ =	vpop (xrf0)  }
0x205: {  	v60 =	vadd.s32 s12, v59  }
0x206: {  	(v2sf) =	vpush v59, $0xF;
	v0 =	vmul.u32 v0, v60;
	_ =	sdelay $0x1  }
0x207: {  	v0 =	vcvt.s32.f32 v0;
	_ =	sdelay $0x1  }
0x208: {  	[tilespmem:$0x23D0] =	vst v0  }
0x209: {  	v0 =	vld [tilespmem:s2+$0x3E0];
	_ =	sdelay $0x4  }
0x20a: {  	(xrf0) =	vadd.scan.msk.s32 $0xffff, v0;
	_ =	sdelay $0x4  }
0x20b: {  	s30 =	spop (v2sf)  }
0x20c: {  	s12 =	sadd.s32 s12, s30;
	v61, _, _ =	vpop (xrf0)  }
0x20d: {  	v62 =	vadd.s32 s12, v61  }
0x20e: {  	(v2sf) =	vpush v61, $0xF;
	v0 =	vmul.u32 v0, v62;
	_ =	sdelay $0x1  }
0x20f: {  	v0 =	vcvt.s32.f32 v0;
	_ =	sdelay $0x1  }
0x210: {  	[tilespmem:$0x23E0] =	vst v0  }
0x211: {  	v0 =	vld [tilespmem:s2+$0x3F0];
	_ =	sdelay $0x4  }
0x212: {  	(xrf0) =	vadd.scan.msk.s32 $0xffff, v0;
	_ =	sdelay $0x4  }
0x213: {  	s31 =	spop (v2sf)  }
0x214: {  	s12 =	sadd.s32 s12, s31;
	v63, _, _ =	vpop (xrf0)  }
0x215: {  	v1 =	vadd.s32 s12, v63  }
0x216: {  	v0 =	vmul.u32 v0, v1;
	_ =	sdelay $0x1  }
0x217: {  	s11 =	sadd.s32 $0x1, s11;
	v0 =	vcvt.s32.f32 v0  }
0x218: {  	p1 =	sne.s32 s11, s6  }
.Ltmp1:
0x219: {  	[tilespmem:$0x23F0] =	vst v0;
	(pc) =	sbr.rel @!p1 .LBB2_13-.Ltmp1, $4  }
0x21a: {  	[hbm4b:s5+s3] =	stream.linear.scatter [tilespmem:s9], [sflag:$0x1], $0x400, $0x38;
	[tilespmem:$0x2400] =	vst v63  }
0x21b: {  	_ =	swait.ge [sflag:s10], $0x400  }
0x21c: {  	[sflag:s10] =	ssyncset.done $0x0  }
0x21d: {  	[sflag:s10] =	ssyncadd.s32 $0xFFFFFC00  }
.LBB2_1:
.Ltmp2:
0x21e: {  	(pc) =	sbr.rel @p0 .LBB2_12-.Ltmp2, $4  }
0x21f: {  	[tilespmem:s3], [sflag:$0x2] =	stream.linear.gather [hbm4b:s4+s3], $0x2000, $0x38;
	[tilespmem:$0x2400] =	vst v63  }
0x220: {  	_ =	swait.ge [sflag:s8], $0x2000  }
0x221: {  	[sflag:s8] =	ssyncset.done $0x0  }
0x222: {  	s12 =	simm.s32 $0x0;
	[sflag:s8] =	ssyncadd.s32 $0xFFFFE000  }
0x223: {  	v0 =	vld [tilespmem:s3+$0x0];
	_ =	sdelay $0x4  }
0x224: {  	p4 =	sne.s32 s7, $0x1;
	(xrf0) =	vadd.scan.msk.s32 $0xffff, v0  }
.Ltmp3:
0x225: {  	_ = 	snop;
	(pc) =	sbr.rel @!p4 .LBB2_3-.Ltmp3, $3  }
0x226: {  	_ =	sdelay $0x1  }
0x227: {  	s12 =	sadd.s32 $0xFFFFFFFF, s7;
	s13 =	sadd.s32 $0x10, s3  }
0x228: {  	p1 =	por $0x0, $0x0;
	p2 =	por $0x0, $0x0;
	p3 =	por $0x0, $0x0  }
0x229: {  	v0 =	vld [tilespmem:s13+$0x0];
	_ =	sdelay $0x3  }
0x22a: {  	p4 =	sne.s32 s12, $0x1  }
.Ltmp4:
0x22b: {  	(xrf0) =	vadd.scan.msk.s32 $0xffff, v0;
	(pc) =	sbr.rel @!p4 .LBB2_5-.Ltmp4, $2  }
0x22c: {  	_ =	sdelay $0x2  }
0x22d: {  	s12 =	sadd.s32 $0xFFFFFFFF, s12;
	s13 =	sadd.s32 $0x10, s13;
	p1 =	por $0x1, $0x1;
	v0, _, _ =	vpop (xrf0)  }
0x22e: {  	(v2sf) =	vpush v0, $0xF;
	_ =	sdelay $0x5  }
0x22f: {  	v1 =	vld [tilespmem:s13+$0x0];
	p4 =	sne.s32 s12, $0x1  }
.Ltmp5:
0x230: {  	_ = 	snop;
	(pc) =	sbr.rel @!p4 .LBB2_7-.Ltmp5, $2  }
0x231: {  	_ =	sdelay $0x2  }
0x232: {  	s14 =	sadd.s32 $0xFFFFFFFF, s12;
	s12 =	sadd.s32 $0x10, s13;
	p2 =	por $0x1, $0x1;
	v0, _, _ =	vpop (xrf0);
	(xrf0) =	vadd.scan.msk.s32 $0xffff, v1  }
0x233: {  	v1 =	vld [tilespmem:s12+$0x0];
	_ =	sdelay $0x3  }
0x234: {  	p4 =	sne.s32 s14, $0x1  }
.Ltmp6:
0x235: {  	(v2sf) =	vpush v0, $0xF;
	(xrf0) =	vadd.scan.msk.s32 $0xffff, v1;
	(pc) =	sbr.rel @!p4 .LBB2_9-.Ltmp6, $3  }
0x236: {  	_ =	sdelay $0x1  }
0x237: {  	s13 =	sadd.s32 $0xFFFFFFFF, s14  }
0x238: {  	s14 =	sadd.s32 $0x10, s12;
	p3 =	por $0x1, $0x1;
	s12 =	simm.s32 $0x0;
	v0, _, _ =	vpop (xrf0)  }
.LBB2_10:
0x239: {  	v1 =	vld [tilespmem:s14+$0x0];
	p4 =	sne.s32 s13, $0x1;
	s13 =	sadd.s32 $0xFFFFFFFF, s13;
	(v2sf) =	vpush v0, $0xF  }
.Ltmp7:
0x23a: {  	(pc) =	sbr.rel @p4 .LBB2_10-.Ltmp7, $4  }
0x23b: {  	_ = 	snop  }
0x23c: {  	s15 =	spop (v2sf)  }
0x23d: {  	s12 =	sadd.s32 s12, s15  }
0x23e: {  	s14 =	sadd.s32 $0x10, s14;
	(xrf0) =	vadd.scan.msk.s32 $0xffff, v1;
	v0, _, _ =	vpop (xrf0)  }
.Ltmp8:
0x23f: {  	_ = 	snop;
	(pc) =	sbr.rel .LBB2_11-.Ltmp8, $1  }
0x240: {  	_ =	sdelay $0x3  }
.LBB2_5:
.Ltmp9:
0x241: {  	(pc) =	sbr.rel .LBB2_11-.Ltmp9, $2  }
0x242: {  	_ =	sdelay $0x2  }
0x243: {  	s12 =	simm.s32 $0x0  }
.LBB2_7:
.Ltmp10:
0x244: {  	(pc) =	sbr.rel .LBB2_11-.Ltmp10, $2  }
0x245: {  	_ =	sdelay $0x2  }
0x246: {  	s12 =	simm.s32 $0x0  }
.LBB2_9:
.Ltmp11:
0x247: {  	(pc) =	sbr.rel .LBB2_11-.Ltmp11, $2  }
0x248: {  	_ =	sdelay $0x2  }
0x249: {  	s12 =	simm.s32 $0x0  }
.LBB2_13:
0x24a: {  	_ =	sfence.sel $0x180000  }
0x24b: {  	[bflag:$0x0] =	sbarrier.arrive $0xFFFF  }
0x24c: {  	p0 =	sne.s32 s0, $0x0;
	_ =	strace $0x90000047  }
0x24d: {  	s0 =	sadd.s32 @!p0 $0x100000, s1;
	[bflag:$0x2] =	sbarrier.arrive $0xFFFF  }
0x24e: {  	[sflag:s0] =	ssyncadd.tile.s32 @!p0 $0x1;
	_ =	shalt  }
.Lfunc_end2:
_tile_overlayer_lowered:
.L_overlay_start_2:
0x24f: {  	(tag) =	ssettag $0x2  }
0x250: {  	s0 =	rddreg [dreg:$0x0];
	s2 =	stileid.u32  }
0x251: {  	s1 =	rddreg [dreg:$0x1];
	p0 =	sne.s32 s2, $0x0  }
0x252: {  	s3 =	rddreg [dreg:$0x2];
	[bflag:$0x3] =	sbarrier.arrive $0xFFFF;
	s2 =	simm.s32 @!p0 $0x1C02  }
0x253: {  	[timem:s3], [sflag:s2] =	dma.local @!p0 [hbm:s0], s1  }
0x254: {  	s0 =	simm.s32 @!p0 $0x2  }
0x255: {  	_ =	swait.ge @!p0 [sflag:s0], s1  }
0x256: {  	s1 =	ssub.s32 @!p0 $0x0, s1;
	[sflag:s0] =	ssyncset.done @!p0 $0x0  }
0x257: {  	[sflag:s0] =	ssyncadd.s32 @!p0 s1  }
0x258: {  	[bflag:$0x3] =	sbarrier.arrive $0xFFFF  }
0x259: {  	_ =	shalt  }

</sc_bundles>
